<compile_context>
chip_gen: v7x
topology: tpu7x:2x2x1
jax: 0.10.2.dev20260603
libtpu: 0.0.44.dev20260713+nightly
codegen_flags: <defaults>
</compile_context>

<pallas_src>
import functools

import jax
import jax.numpy as jnp
from jax import lax
from jax.experimental import pallas as pl
from jax.experimental.pallas import tpu as pltpu
from jax.experimental.pallas import tpu_sc as plsc

_VOCAB = 1000000
_DIM = 32
_L = 16
_W = 128


def _sc_hash_gather_add(ids_t, prev_t, prev2_t, bw_p, tw_p, n_seq, n_batch):
    mesh = plsc.VectorSubcoreMesh(core_axis_name="c", subcore_axis_name="s")
    n_blk = n_batch // _W

    @functools.partial(
        pl.kernel,
        out_type=jax.ShapeDtypeStruct(
            (n_seq, _DIM // 8, n_blk, 8, _W), jnp.float32
        ),
        mesh=mesh,
        compiler_params=pltpu.CompilerParams(
            use_tc_tiling_on_sc=False, needs_layout_passes=False
        ),
        scratch_types=[
            pltpu.VMEM((_W,), jnp.int32),
            pltpu.VMEM((_W,), jnp.int32),
            pltpu.VMEM((_W, _DIM), jnp.float32),
            pltpu.VMEM((_W, _DIM), jnp.float32),
            pltpu.SemaphoreType.DMA,
            pltpu.SemaphoreType.DMA,
        ],
    )
    def k(ids_hbm, prev_hbm, prev2_hbm, bw_hbm, tw_hbm, out_hbm,
          bi_idx, tri_idx, rows_bi, rows_tri, s1, s2):
        def body(ids_v, prev_v, prev2_v, out_v):
            @pl.loop(0, _W, step=_L)
            def _(c):
                a = ids_v[0, pl.ds(c, _L)]
                p = prev_v[0, pl.ds(c, _L)]
                p2 = prev2_v[0, pl.ds(c, _L)]
                s = p * 131 + a
                bi_idx[pl.ds(c, _L)] = s % _VOCAB
                tri_idx[pl.ds(c, _L)] = (p2 * 173 + s) % _VOCAB

            c1 = pltpu.async_copy(bw_hbm.at[bi_idx], rows_bi, s1)
            c2 = pltpu.async_copy(tw_hbm.at[tri_idx], rows_tri, s2)
            c1.wait()
            c2.wait()

            @pl.loop(0, _DIM // 8)
            def _(ct):
                @pl.loop(0, 8)
                def _(cs):
                    c16 = jnp.full((_L,), ct * 8 + cs, jnp.int32)

                    @pl.loop(0, _W, step=_L)
                    def _(k0):
                        i16 = lax.iota(jnp.int32, _L) + k0
                        v1 = plsc.load_gather(rows_bi, [i16, c16])
                        v2 = plsc.load_gather(rows_tri, [i16, c16])
                        out_v[0, ct, 0, cs, pl.ds(k0, _L)] = v1 + v2

        pltpu.emit_pipeline(
            body,
            grid=(n_seq, n_blk),
            in_specs=[
                pl.BlockSpec((1, _W), lambda s, b: (s, b)),
                pl.BlockSpec((1, _W), lambda s, b: (s, b)),
                pl.BlockSpec((1, _W), lambda s, b: (s, b)),
            ],
            out_specs=[
                pl.BlockSpec(
                    (1, _DIM // 8, 1, 8, _W), lambda s, b: (s, 0, b, 0, 0)
                )
            ],
            core_axis_name=("c", "s"),
            dimension_semantics=(pltpu.PARALLEL, pltpu.PARALLEL),
        )(ids_hbm, prev_hbm, prev2_hbm, out_hbm)

    return k(ids_t, prev_t, prev2_t, bw_p, tw_p)


def kernel(ids, bigram_weight, tri_weight):
    ids = ids.astype(jnp.int32)
    n, m = ids.shape
    ids_t = ids.T
    prev_t = jnp.zeros_like(ids_t).at[1:, :].set(ids_t[:-1, :])
    prev2_t = jnp.zeros_like(ids_t).at[2:, :].set(ids_t[:-2, :])
    out5 = _sc_hash_gather_add(
        ids_t, prev_t, prev2_t, bigram_weight, tri_weight, m, n
    )
    return out5.transpose(2, 4, 0, 1, 3).reshape(n, m, _DIM)

# --- scband reference (transcript-rebuilt; emitter-appended) ---
"""Pipeline reference for scband-bigram-hash-32031866094016 (READ-ONLY COPY).

The authoritative reference and input builder live on the scoring server;
editing this copy changes nothing except your own understanding.
"""

import jax, jax.numpy as jnp
import numpy as np

VOCAB_SIZE = 1000000
DIM = 32

def setup_inputs(seed: int = 0) -> dict:
    key = jax.random.key(seed)
    k_ids, k_bg, k_tri = jax.random.split(key, 3)
    ids = jax.random.randint(k_ids, (4096, 200), 0, VOCAB_SIZE, dtype=jnp.int64 if jax.config.jax_enable_x64 else jnp.int32).astype(jnp.int32)
    # Note: module initializes embeddings to zeros; we use trained-like random weights
    # for a non-degenerate reference. Swap to jnp.zeros for exact init parity.
    bigram_weight = jax.random.normal(k_bg, (VOCAB_SIZE, DIM), dtype=jnp.float32)
    tri_weight = jax.random.normal(k_tri, (VOCAB_SIZE, DIM), dtype=jnp.float32)
    return {"ids": ids, "bigram_weight": bigram_weight, "tri_weight": tri_weight}

def reference(ids, bigram_weight, tri_weight):
    ids = ids.astype(jnp.int32)
    prev = jnp.zeros_like(ids).at[:, 1:].set(ids[:, :-1])
    bi_idx = (prev * 131 + ids) % VOCAB_SIZE
    h = jnp.take(bigram_weight, bi_idx, axis=0)
    prev2 = jnp.zeros_like(ids).at[:, 2:].set(ids[:, :-2])
    tri_idx = (prev2 * 173 + prev * 131 + ids) % VOCAB_SIZE
    h = h + jnp.take(tri_weight, tri_idx, axis=0)
    return h

if __name__ == "__main__":
    import jax
    _d = setup_inputs()
    print(jax.jit(kernel)(*tuple(_d.values())))

</pallas_src>

<mosaic_0001>
#map = affine_map<(d0, d1) -> (0, 0)>
#map1 = affine_map<(d0, d1) -> (0, 0, 0, 0, 0)>
module attributes {stable_mosaic.version = 14 : i64} {
  func.func @k(%arg0: i32, %arg1: i32, %arg2: memref<200x4096xi32, #tpu.memory_space<hbm>>, %arg3: memref<200x4096xi32, #tpu.memory_space<hbm>>, %arg4: memref<200x4096xi32, #tpu.memory_space<hbm>>, %arg5: memref<1000000x32xf32, #tpu.memory_space<hbm>>, %arg6: memref<1000000x32xf32, #tpu.memory_space<hbm>>, %arg7: memref<200x4x32x8x128xf32, #tpu.memory_space<hbm>>, %arg8: memref<128xi32, #tpu.memory_space<vmem>>, %arg9: memref<128xi32, #tpu.memory_space<vmem>>, %arg10: memref<128x32xf32, #tpu.memory_space<vmem>>, %arg11: memref<128x32xf32, #tpu.memory_space<vmem>>, %arg12: memref<!tpu.dma_semaphore, #tpu.memory_space<semaphore_mem>>, %arg13: memref<!tpu.dma_semaphore, #tpu.memory_space<semaphore_mem>>) attributes {dimension_semantics = [#tpu.dimension_semantics<core_parallel>, #tpu.dimension_semantics<subcore_parallel>], iteration_bounds = array<i64: 2, 16>, scalar_prefetch = 0 : i64, scratch_operands = 6 : i64, tpu.core_type = #tpu.core_type<sc_vector_subcore>, window_params = [{transform_indices = #map}, {transform_indices = #map}, {transform_indices = #map}, {transform_indices = #map}, {transform_indices = #map}, {transform_indices = #map1}]} {
    %mul3A = arith.constant 1 : i32
    %mul3A_0 = arith.muli %arg1, %mul3A : i32
    %add3A = arith.constant 0 : i32
    %add3A_1 = arith.addi %add3A, %mul3A_0 : i32
    %mul3A_2 = arith.constant 16 : i32
    %mul3A_3 = arith.muli %arg0, %mul3A_2 : i32
    %add3A_4 = arith.addi %add3A_1, %mul3A_3 : i32
    %mul3A_5 = arith.constant 1 : i32
    %mul3A_6 = arith.muli %add3A_4, %mul3A_5 : i32
    "tpu.region"() ({
      %run_scoped3A = memref.alloca() : memref<2x1x128xi32, #tpu.memory_space<vmem>>
      %run_scoped3A_7 = tpu.sem_alloc : memref<2x!tpu.dma_semaphore, #tpu.memory_space<semaphore_mem>>
      %run_scoped3A_8 = memref.alloca() : memref<2x1x128xi32, #tpu.memory_space<vmem>>
      %run_scoped3A_9 = tpu.sem_alloc : memref<2x!tpu.dma_semaphore, #tpu.memory_space<semaphore_mem>>
      %run_scoped3A_10 = memref.alloca() : memref<2x1x128xi32, #tpu.memory_space<vmem>>
      %run_scoped3A_11 = tpu.sem_alloc : memref<2x!tpu.dma_semaphore, #tpu.memory_space<semaphore_mem>>
      %run_scoped3A_12 = memref.alloca() : memref<2x1x4x1x8x128xf32, #tpu.memory_space<vmem>>
      %run_scoped3A_13 = tpu.sem_alloc : memref<2x!tpu.dma_semaphore, #tpu.memory_space<semaphore_mem>>
      %add3A_14 = arith.constant 0 : i32
      %add3A_15 = arith.addi %add3A_14, %mul3A_6 : i32
      %select_n3A = arith.constant true
      %select_n3A_16 = arith.constant 0 : i32
      %select_n3A_17 = arith.constant -1 : i32
      %select_n3A_18 = arith.select %select_n3A, %select_n3A_17, %select_n3A_16 : i32
      %eq3A = arith.constant -1 : i32
      %eq3A_19 = arith.cmpi eq, %select_n3A_18, %eq3A : i32
      %select_n3A_20 = arith.constant 0 : i32
      %select_n3A_21 = arith.select %eq3A_19, %select_n3A_20, %select_n3A_18 : i32
      %select_n3A_22 = arith.constant 0 : i32
      %select_n3A_23 = arith.constant -1 : i32
      %select_n3A_24 = arith.select %eq3A_19, %select_n3A_23, %select_n3A_22 : i32
      %eq3A_25 = arith.constant -1 : i32
      %eq3A_26 = arith.cmpi eq, %select_n3A_24, %eq3A_25 : i32
      %select_n3A_27 = arith.constant 199 : i32
      %select_n3A_28 = arith.select %eq3A_26, %select_n3A_27, %select_n3A_24 : i32
      %add3A_29 = arith.constant 0 : i32
      %add3A_30 = arith.addi %select_n3A_28, %add3A_29 : i32
      %add3A_31 = arith.constant 0 : i32
      %add3A_32 = arith.addi %add3A_31, %mul3A_6 : i32
      %select_n3A_33 = arith.constant true
      %select_n3A_34 = arith.constant 0 : i32
      %select_n3A_35 = arith.constant 1 : i32
      %select_n3A_36 = arith.select %select_n3A_33, %select_n3A_35, %select_n3A_34 : i32
      %eq3A_37 = arith.constant 1 : i32
      %eq3A_38 = arith.cmpi eq, %select_n3A_36, %eq3A_37 : i32
      %select_n3A_39 = arith.constant 0 : i32
      %select_n3A_40 = arith.select %eq3A_38, %select_n3A_39, %select_n3A_36 : i32
      %select_n3A_41 = arith.constant 0 : i32
      %select_n3A_42 = arith.constant 1 : i32
      %select_n3A_43 = arith.select %eq3A_38, %select_n3A_42, %select_n3A_41 : i32
      %eq3A_44 = arith.constant 200 : i32
      %eq3A_45 = arith.cmpi eq, %select_n3A_43, %eq3A_44 : i32
      %select_n3A_46 = arith.constant 0 : i32
      %select_n3A_47 = arith.select %eq3A_45, %select_n3A_46, %select_n3A_43 : i32
      %add3A_48 = arith.constant 0 : i32
      %add3A_49 = arith.addi %select_n3A_47, %add3A_48 : i32
      %add3A_50 = arith.constant 0 : i32
      %add3A_51 = arith.addi %add3A_50, %mul3A_6 : i32
      %select_n3A_52 = arith.constant true
      %select_n3A_53 = arith.constant 0 : i32
      %select_n3A_54 = arith.constant 1 : i32
      %select_n3A_55 = arith.select %select_n3A_52, %select_n3A_54, %select_n3A_53 : i32
      %eq3A_56 = arith.constant 1 : i32
      %eq3A_57 = arith.cmpi eq, %select_n3A_55, %eq3A_56 : i32
      %select_n3A_58 = arith.constant 0 : i32
      %select_n3A_59 = arith.select %eq3A_57, %select_n3A_58, %select_n3A_55 : i32
      %add3A_60 = arith.constant 1 : i32
      %add3A_61 = arith.addi %select_n3A_47, %add3A_60 : i32
      %select_n3A_62 = arith.select %eq3A_57, %add3A_61, %select_n3A_47 : i32
      %eq3A_63 = arith.constant 200 : i32
      %eq3A_64 = arith.cmpi eq, %select_n3A_62, %eq3A_63 : i32
      %select_n3A_65 = arith.constant 0 : i32
      %select_n3A_66 = arith.select %eq3A_64, %select_n3A_65, %select_n3A_62 : i32
      %add3A_67 = arith.constant 0 : i32
      %add3A_68 = arith.addi %select_n3A_66, %add3A_67 : i32
      %add3A_69 = arith.constant 0 : i32
      %add3A_70 = arith.addi %add3A_69, %mul3A_6 : i32
      "tpu.trace_start"() <{level = 10 : i32, message = "ep_initialize_0"}> : () -> ()
      %rem3A = arith.constant 0 : i32
      %rem3A_71 = arith.constant 2 : i32
      %rem3A_72 = arith.remui %rem3A, %rem3A_71 : i32
      %mul3A_73 = arith.constant 128 : i32
      %mul3A_74 = arith.muli %mul3A_73, %add3A_15 : i32
      %dma_start3A = arith.constant 0 : i32
      %dma_start3A_75 = arith.constant 0 : i32
      %dma_start3A_76 = tpu.memref_slice %run_scoped3A[%rem3A_72, %dma_start3A, %dma_start3A_75] : memref<2x1x128xi32, #tpu.memory_space<vmem>> -> memref<1x1x128xi32, #tpu.memory_space<vmem>>
      %dma_start3A_77 = tpu.memref_squeeze %dma_start3A_76 : memref<1x1x128xi32, #tpu.memory_space<vmem>> -> memref<1x128xi32, #tpu.memory_space<vmem>>
      %dma_start3A_78 = arith.constant 0 : i32
      %dma_start3A_79 = tpu.memref_slice %arg2[%dma_start3A_78, %mul3A_74] : memref<200x4096xi32, #tpu.memory_space<hbm>> -> memref<1x128xi32, #tpu.memory_space<hbm>>
      %dma_start3A_80 = tpu.memref_slice %run_scoped3A_7[%rem3A_72] : memref<2x!tpu.dma_semaphore, #tpu.memory_space<semaphore_mem>> -> memref<1x!tpu.dma_semaphore, #tpu.memory_space<semaphore_mem>>
      %dma_start3A_81 = tpu.memref_squeeze %dma_start3A_80 : memref<1x!tpu.dma_semaphore, #tpu.memory_space<semaphore_mem>> -> memref<!tpu.dma_semaphore, #tpu.memory_space<semaphore_mem>>
      %dma_start3A_82 = arith.constant 0 : i32
      %dma_start3A_83 = arith.constant 0 : i32
      %dma_start3A_84 = tpu.memref_slice %run_scoped3A[%rem3A_72, %dma_start3A_82, %dma_start3A_83] : memref<2x1x128xi32, #tpu.memory_space<vmem>> -> memref<1x1x128xi32, #tpu.memory_space<vmem>>
      %dma_start3A_85 = tpu.memref_squeeze %dma_start3A_84 : memref<1x1x128xi32, #tpu.memory_space<vmem>> -> memref<1x128xi32, #tpu.memory_space<vmem>>
      %dma_start3A_86 = arith.constant 0 : i32
      %dma_start3A_87 = tpu.memref_slice %arg2[%dma_start3A_86, %mul3A_74] : memref<200x4096xi32, #tpu.memory_space<hbm>> -> memref<1x128xi32, #tpu.memory_space<hbm>>
      tpu.enqueue_dma source(%dma_start3A_87 : memref<1x128xi32, #tpu.memory_space<hbm>>) target(%dma_start3A_85 : memref<1x128xi32, #tpu.memory_space<vmem>>) target_semaphore(%dma_start3A_81 : memref<!tpu.dma_semaphore, #tpu.memory_space<semaphore_mem>>)
      %add3A_88 = arith.constant 0 : i32
      %add3A_89 = arith.constant 1 : i32
      %add3A_90 = arith.addi %add3A_88, %add3A_89 : i32
      %select_n3A_91 = arith.constant true
      %select_n3A_92 = arith.constant 0 : i32
      %select_n3A_93 = arith.select %select_n3A_91, %add3A_90, %select_n3A_92 : i32
      %rem3A_94 = arith.constant 0 : i32
      %rem3A_95 = arith.constant 2 : i32
      %rem3A_96 = arith.remui %rem3A_94, %rem3A_95 : i32
      %mul3A_97 = arith.constant 128 : i32
      %mul3A_98 = arith.muli %mul3A_97, %add3A_15 : i32
      %dma_start3A_99 = arith.constant 0 : i32
      %dma_start3A_100 = arith.constant 0 : i32
      %dma_start3A_101 = tpu.memref_slice %run_scoped3A_8[%rem3A_96, %dma_start3A_99, %dma_start3A_100] : memref<2x1x128xi32, #tpu.memory_space<vmem>> -> memref<1x1x128xi32, #tpu.memory_space<vmem>>
      %dma_start3A_102 = tpu.memref_squeeze %dma_start3A_101 : memref<1x1x128xi32, #tpu.memory_space<vmem>> -> memref<1x128xi32, #tpu.memory_space<vmem>>
      %dma_start3A_103 = arith.constant 0 : i32
      %dma_start3A_104 = tpu.memref_slice %arg3[%dma_start3A_103, %mul3A_98] : memref<200x4096xi32, #tpu.memory_space<hbm>> -> memref<1x128xi32, #tpu.memory_space<hbm>>
      %dma_start3A_105 = tpu.memref_slice %run_scoped3A_9[%rem3A_96] : memref<2x!tpu.dma_semaphore, #tpu.memory_space<semaphore_mem>> -> memref<1x!tpu.dma_semaphore, #tpu.memory_space<semaphore_mem>>
      %dma_start3A_106 = tpu.memref_squeeze %dma_start3A_105 : memref<1x!tpu.dma_semaphore, #tpu.memory_space<semaphore_mem>> -> memref<!tpu.dma_semaphore, #tpu.memory_space<semaphore_mem>>
      %dma_start3A_107 = arith.constant 0 : i32
      %dma_start3A_108 = arith.constant 0 : i32
      %dma_start3A_109 = tpu.memref_slice %run_scoped3A_8[%rem3A_96, %dma_start3A_107, %dma_start3A_108] : memref<2x1x128xi32, #tpu.memory_space<vmem>> -> memref<1x1x128xi32, #tpu.memory_space<vmem>>
      %dma_start3A_110 = tpu.memref_squeeze %dma_start3A_109 : memref<1x1x128xi32, #tpu.memory_space<vmem>> -> memref<1x128xi32, #tpu.memory_space<vmem>>
      %dma_start3A_111 = arith.constant 0 : i32
      %dma_start3A_112 = tpu.memref_slice %arg3[%dma_start3A_111, %mul3A_98] : memref<200x4096xi32, #tpu.memory_space<hbm>> -> memref<1x128xi32, #tpu.memory_space<hbm>>
      tpu.enqueue_dma source(%dma_start3A_112 : memref<1x128xi32, #tpu.memory_space<hbm>>) target(%dma_start3A_110 : memref<1x128xi32, #tpu.memory_space<vmem>>) target_semaphore(%dma_start3A_106 : memref<!tpu.dma_semaphore, #tpu.memory_space<semaphore_mem>>)
      %add3A_113 = arith.constant 0 : i32
      %add3A_114 = arith.constant 1 : i32
      %add3A_115 = arith.addi %add3A_113, %add3A_114 : i32
      %select_n3A_116 = arith.constant true
      %select_n3A_117 = arith.constant 0 : i32
      %select_n3A_118 = arith.select %select_n3A_116, %add3A_115, %select_n3A_117 : i32
      %rem3A_119 = arith.constant 0 : i32
      %rem3A_120 = arith.constant 2 : i32
      %rem3A_121 = arith.remui %rem3A_119, %rem3A_120 : i32
      %mul3A_122 = arith.constant 128 : i32
      %mul3A_123 = arith.muli %mul3A_122, %add3A_15 : i32
      %dma_start3A_124 = arith.constant 0 : i32
      %dma_start3A_125 = arith.constant 0 : i32
      %dma_start3A_126 = tpu.memref_slice %run_scoped3A_10[%rem3A_121, %dma_start3A_124, %dma_start3A_125] : memref<2x1x128xi32, #tpu.memory_space<vmem>> -> memref<1x1x128xi32, #tpu.memory_space<vmem>>
      %dma_start3A_127 = tpu.memref_squeeze %dma_start3A_126 : memref<1x1x128xi32, #tpu.memory_space<vmem>> -> memref<1x128xi32, #tpu.memory_space<vmem>>
      %dma_start3A_128 = arith.constant 0 : i32
      %dma_start3A_129 = tpu.memref_slice %arg4[%dma_start3A_128, %mul3A_123] : memref<200x4096xi32, #tpu.memory_space<hbm>> -> memref<1x128xi32, #tpu.memory_space<hbm>>
      %dma_start3A_130 = tpu.memref_slice %run_scoped3A_11[%rem3A_121] : memref<2x!tpu.dma_semaphore, #tpu.memory_space<semaphore_mem>> -> memref<1x!tpu.dma_semaphore, #tpu.memory_space<semaphore_mem>>
      %dma_start3A_131 = tpu.memref_squeeze %dma_start3A_130 : memref<1x!tpu.dma_semaphore, #tpu.memory_space<semaphore_mem>> -> memref<!tpu.dma_semaphore, #tpu.memory_space<semaphore_mem>>
      %dma_start3A_132 = arith.constant 0 : i32
      %dma_start3A_133 = arith.constant 0 : i32
      %dma_start3A_134 = tpu.memref_slice %run_scoped3A_10[%rem3A_121, %dma_start3A_132, %dma_start3A_133] : memref<2x1x128xi32, #tpu.memory_space<vmem>> -> memref<1x1x128xi32, #tpu.memory_space<vmem>>
      %dma_start3A_135 = tpu.memref_squeeze %dma_start3A_134 : memref<1x1x128xi32, #tpu.memory_space<vmem>> -> memref<1x128xi32, #tpu.memory_space<vmem>>
      %dma_start3A_136 = arith.constant 0 : i32
      %dma_start3A_137 = tpu.memref_slice %arg4[%dma_start3A_136, %mul3A_123] : memref<200x4096xi32, #tpu.memory_space<hbm>> -> memref<1x128xi32, #tpu.memory_space<hbm>>
      tpu.enqueue_dma source(%dma_start3A_137 : memref<1x128xi32, #tpu.memory_space<hbm>>) target(%dma_start3A_135 : memref<1x128xi32, #tpu.memory_space<vmem>>) target_semaphore(%dma_start3A_131 : memref<!tpu.dma_semaphore, #tpu.memory_space<semaphore_mem>>)
      %add3A_138 = arith.constant 0 : i32
      %add3A_139 = arith.constant 1 : i32
      %add3A_140 = arith.addi %add3A_138, %add3A_139 : i32
      %select_n3A_141 = arith.constant true
      %select_n3A_142 = arith.constant 0 : i32
      %select_n3A_143 = arith.select %select_n3A_141, %add3A_140, %select_n3A_142 : i32
      "tpu.trace_stop"() : () -> ()
      %scan3A = arith.constant 0 : i32
      %scan3A_144 = arith.constant 0 : i32
      %scan3A_145 = arith.constant 0 : i32
      %scan3A_146 = arith.constant 0 : i32
      %scan3A_147 = arith.constant 0 : i32
      %scan3A_148 = arith.constant 0 : i32
      %scan3A_149 = arith.constant 0 : i32
      %scan3A_150 = arith.constant 0 : i32
      %scan3A_151 = arith.constant 200 : i32
      %scan3A_152 = arith.addi %scan3A_150, %scan3A_151 : i32
      %scan3A_153 = arith.constant 1 : i32
      %scan3A_154:10 = scf.for %scan3A_260 = %scan3A_150 to %scan3A_152 step %scan3A_153 iter_args(%scan3A_261 = %select_n3A_93, %scan3A_262 = %scan3A, %scan3A_263 = %select_n3A_118, %scan3A_264 = %scan3A_144, %scan3A_265 = %select_n3A_143, %scan3A_266 = %scan3A_145, %scan3A_267 = %scan3A_146, %scan3A_268 = %scan3A_147, %scan3A_269 = %scan3A_148, %scan3A_270 = %scan3A_149) -> (i32, i32, i32, i32, i32, i32, i32, i32, i32, i32)  : i32 {
        %eq3A_271 = arith.constant 0 : i32
        %eq3A_272 = arith.cmpi eq, %scan3A_260, %eq3A_271 : i32
        %eq3A_273 = arith.constant 199 : i32
        %eq3A_274 = arith.cmpi eq, %scan3A_260, %eq3A_273 : i32
        %add3A_275 = arith.constant 0 : i32
        %add3A_276 = arith.addi %scan3A_269, %add3A_275 : i32
        %add3A_277 = arith.constant 0 : i32
        %add3A_278 = arith.addi %add3A_277, %mul3A_6 : i32
        %select_n3A_279 = arith.constant true
        %select_n3A_280 = arith.constant 0 : i32
        %select_n3A_281 = arith.constant -1 : i32
        %select_n3A_282 = arith.select %select_n3A_279, %select_n3A_281, %select_n3A_280 : i32
        %eq3A_283 = arith.constant -1 : i32
        %eq3A_284 = arith.cmpi eq, %select_n3A_282, %eq3A_283 : i32
        %select_n3A_285 = arith.constant 0 : i32
        %select_n3A_286 = arith.select %eq3A_284, %select_n3A_285, %select_n3A_282 : i32
        %sub3A_287 = arith.constant 1 : i32
        %sub3A_288 = arith.subi %scan3A_269, %sub3A_287 : i32
        %select_n3A_289 = arith.select %eq3A_284, %sub3A_288, %scan3A_269 : i32
        %eq3A_290 = arith.constant -1 : i32
        %eq3A_291 = arith.cmpi eq, %select_n3A_289, %eq3A_290 : i32
        %select_n3A_292 = arith.constant 199 : i32
        %select_n3A_293 = arith.select %eq3A_291, %select_n3A_292, %select_n3A_289 : i32
        %add3A_294 = arith.constant 0 : i32
        %add3A_295 = arith.addi %select_n3A_293, %add3A_294 : i32
        %add3A_296 = arith.constant 0 : i32
        %add3A_297 = arith.addi %add3A_296, %mul3A_6 : i32
        %select_n3A_298 = arith.constant true
        %select_n3A_299 = arith.constant 0 : i32
        %select_n3A_300 = arith.constant 1 : i32
        %select_n3A_301 = arith.select %select_n3A_298, %select_n3A_300, %select_n3A_299 : i32
        %eq3A_302 = arith.constant 1 : i32
        %eq3A_303 = arith.cmpi eq, %select_n3A_301, %eq3A_302 : i32
        %select_n3A_304 = arith.constant 0 : i32
        %select_n3A_305 = arith.select %eq3A_303, %select_n3A_304, %select_n3A_301 : i32
        %add3A_306 = arith.constant 1 : i32
        %add3A_307 = arith.addi %scan3A_269, %add3A_306 : i32
        %select_n3A_308 = arith.select %eq3A_303, %add3A_307, %scan3A_269 : i32
        %eq3A_309 = arith.constant 200 : i32
        %eq3A_310 = arith.cmpi eq, %select_n3A_308, %eq3A_309 : i32
        %select_n3A_311 = arith.constant 0 : i32
        %select_n3A_312 = arith.select %eq3A_310, %select_n3A_311, %select_n3A_308 : i32
        %add3A_313 = arith.constant 0 : i32
        %add3A_314 = arith.addi %select_n3A_312, %add3A_313 : i32
        %add3A_315 = arith.constant 0 : i32
        %add3A_316 = arith.addi %add3A_315, %mul3A_6 : i32
        %select_n3A_317 = arith.constant true
        %select_n3A_318 = arith.constant 0 : i32
        %select_n3A_319 = arith.constant 1 : i32
        %select_n3A_320 = arith.select %select_n3A_317, %select_n3A_319, %select_n3A_318 : i32
        %eq3A_321 = arith.constant 1 : i32
        %eq3A_322 = arith.cmpi eq, %select_n3A_320, %eq3A_321 : i32
        %select_n3A_323 = arith.constant 0 : i32
        %select_n3A_324 = arith.select %eq3A_322, %select_n3A_323, %select_n3A_320 : i32
        %add3A_325 = arith.constant 1 : i32
        %add3A_326 = arith.addi %select_n3A_312, %add3A_325 : i32
        %select_n3A_327 = arith.select %eq3A_322, %add3A_326, %select_n3A_312 : i32
        %eq3A_328 = arith.constant 200 : i32
        %eq3A_329 = arith.cmpi eq, %select_n3A_327, %eq3A_328 : i32
        %select_n3A_330 = arith.constant 0 : i32
        %select_n3A_331 = arith.select %eq3A_329, %select_n3A_330, %select_n3A_327 : i32
        %add3A_332 = arith.constant 0 : i32
        %add3A_333 = arith.addi %select_n3A_331, %add3A_332 : i32
        %add3A_334 = arith.constant 0 : i32
        %add3A_335 = arith.addi %add3A_334, %mul3A_6 : i32
        %ne3A = arith.cmpi ne, %add3A_276, %add3A_314 : i32
        %ne3A_336 = arith.cmpi ne, %add3A_278, %add3A_316 : i32
        %or3A = arith.constant false
        %or3A_337 = arith.ori %or3A, %ne3A : i1
        %or3A_338 = arith.ori %or3A_337, %ne3A_336 : i1
        %ge3A = arith.constant 199 : i32
        %ge3A_339 = arith.cmpi sge, %scan3A_260, %ge3A : i32
        %not3A = arith.constant true
        %not3A_340 = arith.xori %ge3A_339, %not3A : i1
        %and3A = arith.andi %or3A_338, %not3A_340 : i1
        %convert_element_type3A = arith.extui %and3A : i1 to i32
        %cond3A = arith.constant 0 : i32
        %cond3A_341 = arith.cmpi ne, %convert_element_type3A, %cond3A : i32
        scf.if %cond3A_341 {
          "tpu.trace_start"() <{level = 10 : i32, message = "ep_copy_in"}> : () -> ()
          %rem3A_628 = arith.constant 2 : i32
          %rem3A_629 = arith.remui %scan3A_261, %rem3A_628 : i32
          %mul3A_630 = arith.constant 1 : i32
          %mul3A_631 = arith.muli %mul3A_630, %add3A_314 : i32
          %mul3A_632 = arith.constant 128 : i32
          %mul3A_633 = arith.muli %mul3A_632, %add3A_316 : i32
          %dma_start3A_634 = arith.constant 0 : i32
          %dma_start3A_635 = arith.constant 0 : i32
          %dma_start3A_636 = tpu.memref_slice %run_scoped3A[%rem3A_629, %dma_start3A_634, %dma_start3A_635] : memref<2x1x128xi32, #tpu.memory_space<vmem>> -> memref<1x1x128xi32, #tpu.memory_space<vmem>>
          %dma_start3A_637 = tpu.memref_squeeze %dma_start3A_636 : memref<1x1x128xi32, #tpu.memory_space<vmem>> -> memref<1x128xi32, #tpu.memory_space<vmem>>
          %dma_start3A_638 = tpu.memref_slice %arg2[%mul3A_631, %mul3A_633] : memref<200x4096xi32, #tpu.memory_space<hbm>> -> memref<1x128xi32, #tpu.memory_space<hbm>>
          %dma_start3A_639 = tpu.memref_slice %run_scoped3A_7[%rem3A_629] : memref<2x!tpu.dma_semaphore, #tpu.memory_space<semaphore_mem>> -> memref<1x!tpu.dma_semaphore, #tpu.memory_space<semaphore_mem>>
          %dma_start3A_640 = tpu.memref_squeeze %dma_start3A_639 : memref<1x!tpu.dma_semaphore, #tpu.memory_space<semaphore_mem>> -> memref<!tpu.dma_semaphore, #tpu.memory_space<semaphore_mem>>
          %dma_start3A_641 = arith.constant 0 : i32
          %dma_start3A_642 = arith.constant 0 : i32
          %dma_start3A_643 = tpu.memref_slice %run_scoped3A[%rem3A_629, %dma_start3A_641, %dma_start3A_642] : memref<2x1x128xi32, #tpu.memory_space<vmem>> -> memref<1x1x128xi32, #tpu.memory_space<vmem>>
          %dma_start3A_644 = tpu.memref_squeeze %dma_start3A_643 : memref<1x1x128xi32, #tpu.memory_space<vmem>> -> memref<1x128xi32, #tpu.memory_space<vmem>>
          %dma_start3A_645 = tpu.memref_slice %arg2[%mul3A_631, %mul3A_633] : memref<200x4096xi32, #tpu.memory_space<hbm>> -> memref<1x128xi32, #tpu.memory_space<hbm>>
          tpu.enqueue_dma source(%dma_start3A_645 : memref<1x128xi32, #tpu.memory_space<hbm>>) target(%dma_start3A_644 : memref<1x128xi32, #tpu.memory_space<vmem>>) target_semaphore(%dma_start3A_640 : memref<!tpu.dma_semaphore, #tpu.memory_space<semaphore_mem>>)
          "tpu.trace_stop"() : () -> ()
        } else {
        }
        %and3A_342 = arith.constant true
        %and3A_343 = arith.andi %and3A, %and3A_342 : i1
        %add3A_344 = arith.constant 1 : i32
        %add3A_345 = arith.addi %scan3A_261, %add3A_344 : i32
        %select_n3A_346 = arith.select %and3A_343, %add3A_345, %scan3A_261 : i32
        %ne3A_347 = arith.cmpi ne, %add3A_276, %add3A_314 : i32
        %ne3A_348 = arith.cmpi ne, %add3A_278, %add3A_316 : i32
        %or3A_349 = arith.constant false
        %or3A_350 = arith.ori %or3A_349, %ne3A_347 : i1
        %or3A_351 = arith.ori %or3A_350, %ne3A_348 : i1
        %ge3A_352 = arith.constant 199 : i32
        %ge3A_353 = arith.cmpi sge, %scan3A_260, %ge3A_352 : i32
        %not3A_354 = arith.constant true
        %not3A_355 = arith.xori %ge3A_353, %not3A_354 : i1
        %and3A_356 = arith.andi %or3A_351, %not3A_355 : i1
        %convert_element_type3A_357 = arith.extui %and3A_356 : i1 to i32
        %cond3A_358 = arith.constant 0 : i32
        %cond3A_359 = arith.cmpi ne, %convert_element_type3A_357, %cond3A_358 : i32
        scf.if %cond3A_359 {
          "tpu.trace_start"() <{level = 10 : i32, message = "ep_copy_in"}> : () -> ()
          %rem3A_628 = arith.constant 2 : i32
          %rem3A_629 = arith.remui %scan3A_263, %rem3A_628 : i32
          %mul3A_630 = arith.constant 1 : i32
          %mul3A_631 = arith.muli %mul3A_630, %add3A_314 : i32
          %mul3A_632 = arith.constant 128 : i32
          %mul3A_633 = arith.muli %mul3A_632, %add3A_316 : i32
          %dma_start3A_634 = arith.constant 0 : i32
          %dma_start3A_635 = arith.constant 0 : i32
          %dma_start3A_636 = tpu.memref_slice %run_scoped3A_8[%rem3A_629, %dma_start3A_634, %dma_start3A_635] : memref<2x1x128xi32, #tpu.memory_space<vmem>> -> memref<1x1x128xi32, #tpu.memory_space<vmem>>
          %dma_start3A_637 = tpu.memref_squeeze %dma_start3A_636 : memref<1x1x128xi32, #tpu.memory_space<vmem>> -> memref<1x128xi32, #tpu.memory_space<vmem>>
          %dma_start3A_638 = tpu.memref_slice %arg3[%mul3A_631, %mul3A_633] : memref<200x4096xi32, #tpu.memory_space<hbm>> -> memref<1x128xi32, #tpu.memory_space<hbm>>
          %dma_start3A_639 = tpu.memref_slice %run_scoped3A_9[%rem3A_629] : memref<2x!tpu.dma_semaphore, #tpu.memory_space<semaphore_mem>> -> memref<1x!tpu.dma_semaphore, #tpu.memory_space<semaphore_mem>>
          %dma_start3A_640 = tpu.memref_squeeze %dma_start3A_639 : memref<1x!tpu.dma_semaphore, #tpu.memory_space<semaphore_mem>> -> memref<!tpu.dma_semaphore, #tpu.memory_space<semaphore_mem>>
          %dma_start3A_641 = arith.constant 0 : i32
          %dma_start3A_642 = arith.constant 0 : i32
          %dma_start3A_643 = tpu.memref_slice %run_scoped3A_8[%rem3A_629, %dma_start3A_641, %dma_start3A_642] : memref<2x1x128xi32, #tpu.memory_space<vmem>> -> memref<1x1x128xi32, #tpu.memory_space<vmem>>
          %dma_start3A_644 = tpu.memref_squeeze %dma_start3A_643 : memref<1x1x128xi32, #tpu.memory_space<vmem>> -> memref<1x128xi32, #tpu.memory_space<vmem>>
          %dma_start3A_645 = tpu.memref_slice %arg3[%mul3A_631, %mul3A_633] : memref<200x4096xi32, #tpu.memory_space<hbm>> -> memref<1x128xi32, #tpu.memory_space<hbm>>
          tpu.enqueue_dma source(%dma_start3A_645 : memref<1x128xi32, #tpu.memory_space<hbm>>) target(%dma_start3A_644 : memref<1x128xi32, #tpu.memory_space<vmem>>) target_semaphore(%dma_start3A_640 : memref<!tpu.dma_semaphore, #tpu.memory_space<semaphore_mem>>)
          "tpu.trace_stop"() : () -> ()
        } else {
        }
        %and3A_360 = arith.constant true
        %and3A_361 = arith.andi %and3A_356, %and3A_360 : i1
        %add3A_362 = arith.constant 1 : i32
        %add3A_363 = arith.addi %scan3A_263, %add3A_362 : i32
        %select_n3A_364 = arith.select %and3A_361, %add3A_363, %scan3A_263 : i32
        %ne3A_365 = arith.cmpi ne, %add3A_276, %add3A_314 : i32
        %ne3A_366 = arith.cmpi ne, %add3A_278, %add3A_316 : i32
        %or3A_367 = arith.constant false
        %or3A_368 = arith.ori %or3A_367, %ne3A_365 : i1
        %or3A_369 = arith.ori %or3A_368, %ne3A_366 : i1
        %ge3A_370 = arith.constant 199 : i32
        %ge3A_371 = arith.cmpi sge, %scan3A_260, %ge3A_370 : i32
        %not3A_372 = arith.constant true
        %not3A_373 = arith.xori %ge3A_371, %not3A_372 : i1
        %and3A_374 = arith.andi %or3A_369, %not3A_373 : i1
        %convert_element_type3A_375 = arith.extui %and3A_374 : i1 to i32
        %cond3A_376 = arith.constant 0 : i32
        %cond3A_377 = arith.cmpi ne, %convert_element_type3A_375, %cond3A_376 : i32
        scf.if %cond3A_377 {
          "tpu.trace_start"() <{level = 10 : i32, message = "ep_copy_in"}> : () -> ()
          %rem3A_628 = arith.constant 2 : i32
          %rem3A_629 = arith.remui %scan3A_265, %rem3A_628 : i32
          %mul3A_630 = arith.constant 1 : i32
          %mul3A_631 = arith.muli %mul3A_630, %add3A_314 : i32
          %mul3A_632 = arith.constant 128 : i32
          %mul3A_633 = arith.muli %mul3A_632, %add3A_316 : i32
          %dma_start3A_634 = arith.constant 0 : i32
          %dma_start3A_635 = arith.constant 0 : i32
          %dma_start3A_636 = tpu.memref_slice %run_scoped3A_10[%rem3A_629, %dma_start3A_634, %dma_start3A_635] : memref<2x1x128xi32, #tpu.memory_space<vmem>> -> memref<1x1x128xi32, #tpu.memory_space<vmem>>
          %dma_start3A_637 = tpu.memref_squeeze %dma_start3A_636 : memref<1x1x128xi32, #tpu.memory_space<vmem>> -> memref<1x128xi32, #tpu.memory_space<vmem>>
          %dma_start3A_638 = tpu.memref_slice %arg4[%mul3A_631, %mul3A_633] : memref<200x4096xi32, #tpu.memory_space<hbm>> -> memref<1x128xi32, #tpu.memory_space<hbm>>
          %dma_start3A_639 = tpu.memref_slice %run_scoped3A_11[%rem3A_629] : memref<2x!tpu.dma_semaphore, #tpu.memory_space<semaphore_mem>> -> memref<1x!tpu.dma_semaphore, #tpu.memory_space<semaphore_mem>>
          %dma_start3A_640 = tpu.memref_squeeze %dma_start3A_639 : memref<1x!tpu.dma_semaphore, #tpu.memory_space<semaphore_mem>> -> memref<!tpu.dma_semaphore, #tpu.memory_space<semaphore_mem>>
          %dma_start3A_641 = arith.constant 0 : i32
          %dma_start3A_642 = arith.constant 0 : i32
          %dma_start3A_643 = tpu.memref_slice %run_scoped3A_10[%rem3A_629, %dma_start3A_641, %dma_start3A_642] : memref<2x1x128xi32, #tpu.memory_space<vmem>> -> memref<1x1x128xi32, #tpu.memory_space<vmem>>
          %dma_start3A_644 = tpu.memref_squeeze %dma_start3A_643 : memref<1x1x128xi32, #tpu.memory_space<vmem>> -> memref<1x128xi32, #tpu.memory_space<vmem>>
          %dma_start3A_645 = tpu.memref_slice %arg4[%mul3A_631, %mul3A_633] : memref<200x4096xi32, #tpu.memory_space<hbm>> -> memref<1x128xi32, #tpu.memory_space<hbm>>
          tpu.enqueue_dma source(%dma_start3A_645 : memref<1x128xi32, #tpu.memory_space<hbm>>) target(%dma_start3A_644 : memref<1x128xi32, #tpu.memory_space<vmem>>) target_semaphore(%dma_start3A_640 : memref<!tpu.dma_semaphore, #tpu.memory_space<semaphore_mem>>)
          "tpu.trace_stop"() : () -> ()
        } else {
        }
        %and3A_378 = arith.constant true
        %and3A_379 = arith.andi %and3A_374, %and3A_378 : i1
        %add3A_380 = arith.constant 1 : i32
        %add3A_381 = arith.addi %scan3A_265, %add3A_380 : i32
        %select_n3A_382 = arith.select %and3A_379, %add3A_381, %scan3A_265 : i32
        %ne3A_383 = arith.cmpi ne, %add3A_276, %add3A_314 : i32
        %ne3A_384 = arith.cmpi ne, %add3A_278, %add3A_316 : i32
        %or3A_385 = arith.constant false
        %or3A_386 = arith.ori %or3A_385, %ne3A_383 : i1
        %or3A_387 = arith.constant false
        %or3A_388 = arith.ori %or3A_386, %or3A_387 : i1
        %or3A_389 = arith.ori %or3A_388, %ne3A_384 : i1
        %or3A_390 = arith.constant false
        %or3A_391 = arith.ori %or3A_389, %or3A_390 : i1
        %or3A_392 = arith.constant false
        %or3A_393 = arith.ori %or3A_391, %or3A_392 : i1
        %ge3A_394 = arith.constant 199 : i32
        %ge3A_395 = arith.cmpi sge, %scan3A_260, %ge3A_394 : i32
        %not3A_396 = arith.constant true
        %not3A_397 = arith.xori %ge3A_395, %not3A_396 : i1
        %and3A_398 = arith.andi %or3A_393, %not3A_397 : i1
        %ne3A_399 = arith.cmpi ne, %add3A_276, %add3A_295 : i32
        %ne3A_400 = arith.cmpi ne, %add3A_278, %add3A_297 : i32
        %or3A_401 = arith.constant false
        %or3A_402 = arith.ori %or3A_401, %ne3A_399 : i1
        %or3A_403 = arith.ori %or3A_402, %ne3A_400 : i1
        %or3A_404 = arith.ori %or3A_403, %eq3A_272 : i1
        %convert_element_type3A_405 = arith.extui %or3A_404 : i1 to i32
        %cond3A_406 = arith.constant 0 : i32
        %cond3A_407 = arith.cmpi ne, %convert_element_type3A_405, %cond3A_406 : i32
        scf.if %cond3A_407 {
          "tpu.trace_start"() <{level = 10 : i32, message = "ep_wait_in"}> : () -> ()
          %mul3A_628 = arith.constant 1 : i32
          %mul3A_629 = arith.muli %mul3A_628, %add3A_276 : i32
          %mul3A_630 = arith.constant 128 : i32
          %mul3A_631 = arith.muli %mul3A_630, %add3A_278 : i32
          %rem3A_632 = arith.constant 2 : i32
          %rem3A_633 = arith.remui %scan3A_262, %rem3A_632 : i32
          %dma_wait3A_634 = arith.constant 0 : i32
          %dma_wait3A_635 = arith.constant 0 : i32
          %dma_wait3A_636 = tpu.memref_slice %run_scoped3A[%rem3A_633, %dma_wait3A_634, %dma_wait3A_635] : memref<2x1x128xi32, #tpu.memory_space<vmem>> -> memref<1x1x128xi32, #tpu.memory_space<vmem>>
          %dma_wait3A_637 = tpu.memref_squeeze %dma_wait3A_636 : memref<1x1x128xi32, #tpu.memory_space<vmem>> -> memref<1x128xi32, #tpu.memory_space<vmem>>
          %dma_wait3A_638 = tpu.memref_slice %arg2[%mul3A_629, %mul3A_631] : memref<200x4096xi32, #tpu.memory_space<hbm>> -> memref<1x128xi32, #tpu.memory_space<hbm>>
          %dma_wait3A_639 = tpu.memref_slice %run_scoped3A_7[%rem3A_633] : memref<2x!tpu.dma_semaphore, #tpu.memory_space<semaphore_mem>> -> memref<1x!tpu.dma_semaphore, #tpu.memory_space<semaphore_mem>>
          %dma_wait3A_640 = tpu.memref_squeeze %dma_wait3A_639 : memref<1x!tpu.dma_semaphore, #tpu.memory_space<semaphore_mem>> -> memref<!tpu.dma_semaphore, #tpu.memory_space<semaphore_mem>>
          %dma_wait3A_641 = arith.constant 0 : i32
          %dma_wait3A_642 = arith.constant 0 : i32
          %dma_wait3A_643 = tpu.memref_slice %run_scoped3A[%rem3A_633, %dma_wait3A_641, %dma_wait3A_642] : memref<2x1x128xi32, #tpu.memory_space<vmem>> -> memref<1x1x128xi32, #tpu.memory_space<vmem>>
          %dma_wait3A_644 = tpu.memref_squeeze %dma_wait3A_643 : memref<1x1x128xi32, #tpu.memory_space<vmem>> -> memref<1x128xi32, #tpu.memory_space<vmem>>
          %dma_wait3A_645 = tpu.memref_slice %arg2[%mul3A_629, %mul3A_631] : memref<200x4096xi32, #tpu.memory_space<hbm>> -> memref<1x128xi32, #tpu.memory_space<hbm>>
          tpu.wait_dma2 semaphore(%dma_wait3A_640 : memref<!tpu.dma_semaphore, #tpu.memory_space<semaphore_mem>>) src(%dma_wait3A_645 : memref<1x128xi32, #tpu.memory_space<hbm>>) dst(%dma_wait3A_644 : memref<1x128xi32, #tpu.memory_space<vmem>>)
          "tpu.trace_stop"() : () -> ()
        } else {
        }
        %ne3A_408 = arith.cmpi ne, %add3A_276, %add3A_295 : i32
        %ne3A_409 = arith.cmpi ne, %add3A_278, %add3A_297 : i32
        %or3A_410 = arith.constant false
        %or3A_411 = arith.ori %or3A_410, %ne3A_408 : i1
        %or3A_412 = arith.ori %or3A_411, %ne3A_409 : i1
        %or3A_413 = arith.ori %or3A_412, %eq3A_272 : i1
        %convert_element_type3A_414 = arith.extui %or3A_413 : i1 to i32
        %cond3A_415 = arith.constant 0 : i32
        %cond3A_416 = arith.cmpi ne, %convert_element_type3A_414, %cond3A_415 : i32
        scf.if %cond3A_416 {
          "tpu.trace_start"() <{level = 10 : i32, message = "ep_wait_in"}> : () -> ()
          %mul3A_628 = arith.constant 1 : i32
          %mul3A_629 = arith.muli %mul3A_628, %add3A_276 : i32
          %mul3A_630 = arith.constant 128 : i32
          %mul3A_631 = arith.muli %mul3A_630, %add3A_278 : i32
          %rem3A_632 = arith.constant 2 : i32
          %rem3A_633 = arith.remui %scan3A_264, %rem3A_632 : i32
          %dma_wait3A_634 = arith.constant 0 : i32
          %dma_wait3A_635 = arith.constant 0 : i32
          %dma_wait3A_636 = tpu.memref_slice %run_scoped3A_8[%rem3A_633, %dma_wait3A_634, %dma_wait3A_635] : memref<2x1x128xi32, #tpu.memory_space<vmem>> -> memref<1x1x128xi32, #tpu.memory_space<vmem>>
          %dma_wait3A_637 = tpu.memref_squeeze %dma_wait3A_636 : memref<1x1x128xi32, #tpu.memory_space<vmem>> -> memref<1x128xi32, #tpu.memory_space<vmem>>
          %dma_wait3A_638 = tpu.memref_slice %arg3[%mul3A_629, %mul3A_631] : memref<200x4096xi32, #tpu.memory_space<hbm>> -> memref<1x128xi32, #tpu.memory_space<hbm>>
          %dma_wait3A_639 = tpu.memref_slice %run_scoped3A_9[%rem3A_633] : memref<2x!tpu.dma_semaphore, #tpu.memory_space<semaphore_mem>> -> memref<1x!tpu.dma_semaphore, #tpu.memory_space<semaphore_mem>>
          %dma_wait3A_640 = tpu.memref_squeeze %dma_wait3A_639 : memref<1x!tpu.dma_semaphore, #tpu.memory_space<semaphore_mem>> -> memref<!tpu.dma_semaphore, #tpu.memory_space<semaphore_mem>>
          %dma_wait3A_641 = arith.constant 0 : i32
          %dma_wait3A_642 = arith.constant 0 : i32
          %dma_wait3A_643 = tpu.memref_slice %run_scoped3A_8[%rem3A_633, %dma_wait3A_641, %dma_wait3A_642] : memref<2x1x128xi32, #tpu.memory_space<vmem>> -> memref<1x1x128xi32, #tpu.memory_space<vmem>>
          %dma_wait3A_644 = tpu.memref_squeeze %dma_wait3A_643 : memref<1x1x128xi32, #tpu.memory_space<vmem>> -> memref<1x128xi32, #tpu.memory_space<vmem>>
          %dma_wait3A_645 = tpu.memref_slice %arg3[%mul3A_629, %mul3A_631] : memref<200x4096xi32, #tpu.memory_space<hbm>> -> memref<1x128xi32, #tpu.memory_space<hbm>>
          tpu.wait_dma2 semaphore(%dma_wait3A_640 : memref<!tpu.dma_semaphore, #tpu.memory_space<semaphore_mem>>) src(%dma_wait3A_645 : memref<1x128xi32, #tpu.memory_space<hbm>>) dst(%dma_wait3A_644 : memref<1x128xi32, #tpu.memory_space<vmem>>)
          "tpu.trace_stop"() : () -> ()
        } else {
        }
        %ne3A_417 = arith.cmpi ne, %add3A_276, %add3A_295 : i32
        %ne3A_418 = arith.cmpi ne, %add3A_278, %add3A_297 : i32
        %or3A_419 = arith.constant false
        %or3A_420 = arith.ori %or3A_419, %ne3A_417 : i1
        %or3A_421 = arith.ori %or3A_420, %ne3A_418 : i1
        %or3A_422 = arith.ori %or3A_421, %eq3A_272 : i1
        %convert_element_type3A_423 = arith.extui %or3A_422 : i1 to i32
        %cond3A_424 = arith.constant 0 : i32
        %cond3A_425 = arith.cmpi ne, %convert_element_type3A_423, %cond3A_424 : i32
        scf.if %cond3A_425 {
          "tpu.trace_start"() <{level = 10 : i32, message = "ep_wait_in"}> : () -> ()
          %mul3A_628 = arith.constant 1 : i32
          %mul3A_629 = arith.muli %mul3A_628, %add3A_276 : i32
          %mul3A_630 = arith.constant 128 : i32
          %mul3A_631 = arith.muli %mul3A_630, %add3A_278 : i32
          %rem3A_632 = arith.constant 2 : i32
          %rem3A_633 = arith.remui %scan3A_266, %rem3A_632 : i32
          %dma_wait3A_634 = arith.constant 0 : i32
          %dma_wait3A_635 = arith.constant 0 : i32
          %dma_wait3A_636 = tpu.memref_slice %run_scoped3A_10[%rem3A_633, %dma_wait3A_634, %dma_wait3A_635] : memref<2x1x128xi32, #tpu.memory_space<vmem>> -> memref<1x1x128xi32, #tpu.memory_space<vmem>>
          %dma_wait3A_637 = tpu.memref_squeeze %dma_wait3A_636 : memref<1x1x128xi32, #tpu.memory_space<vmem>> -> memref<1x128xi32, #tpu.memory_space<vmem>>
          %dma_wait3A_638 = tpu.memref_slice %arg4[%mul3A_629, %mul3A_631] : memref<200x4096xi32, #tpu.memory_space<hbm>> -> memref<1x128xi32, #tpu.memory_space<hbm>>
          %dma_wait3A_639 = tpu.memref_slice %run_scoped3A_11[%rem3A_633] : memref<2x!tpu.dma_semaphore, #tpu.memory_space<semaphore_mem>> -> memref<1x!tpu.dma_semaphore, #tpu.memory_space<semaphore_mem>>
          %dma_wait3A_640 = tpu.memref_squeeze %dma_wait3A_639 : memref<1x!tpu.dma_semaphore, #tpu.memory_space<semaphore_mem>> -> memref<!tpu.dma_semaphore, #tpu.memory_space<semaphore_mem>>
          %dma_wait3A_641 = arith.constant 0 : i32
          %dma_wait3A_642 = arith.constant 0 : i32
          %dma_wait3A_643 = tpu.memref_slice %run_scoped3A_10[%rem3A_633, %dma_wait3A_641, %dma_wait3A_642] : memref<2x1x128xi32, #tpu.memory_space<vmem>> -> memref<1x1x128xi32, #tpu.memory_space<vmem>>
          %dma_wait3A_644 = tpu.memref_squeeze %dma_wait3A_643 : memref<1x1x128xi32, #tpu.memory_space<vmem>> -> memref<1x128xi32, #tpu.memory_space<vmem>>
          %dma_wait3A_645 = tpu.memref_slice %arg4[%mul3A_629, %mul3A_631] : memref<200x4096xi32, #tpu.memory_space<hbm>> -> memref<1x128xi32, #tpu.memory_space<hbm>>
          tpu.wait_dma2 semaphore(%dma_wait3A_640 : memref<!tpu.dma_semaphore, #tpu.memory_space<semaphore_mem>>) src(%dma_wait3A_645 : memref<1x128xi32, #tpu.memory_space<hbm>>) dst(%dma_wait3A_644 : memref<1x128xi32, #tpu.memory_space<vmem>>)
          "tpu.trace_stop"() : () -> ()
        } else {
        }
        %ne3A_426 = arith.cmpi ne, %add3A_276, %add3A_295 : i32
        %ne3A_427 = arith.cmpi ne, %add3A_278, %add3A_297 : i32
        %or3A_428 = arith.constant false
        %or3A_429 = arith.ori %or3A_428, %ne3A_426 : i1
        %or3A_430 = arith.constant false
        %or3A_431 = arith.ori %or3A_429, %or3A_430 : i1
        %or3A_432 = arith.ori %or3A_431, %ne3A_427 : i1
        %or3A_433 = arith.constant false
        %or3A_434 = arith.ori %or3A_432, %or3A_433 : i1
        %or3A_435 = arith.constant false
        %or3A_436 = arith.ori %or3A_434, %or3A_435 : i1
        %or3A_437 = arith.ori %or3A_436, %eq3A_272 : i1
        %convert_element_type3A_438 = arith.extui %or3A_437 : i1 to i32
        %cond3A_439 = arith.constant 0 : i32
        %cond3A_440 = arith.cmpi ne, %convert_element_type3A_438, %cond3A_439 : i32
        scf.if %cond3A_440 {
        } else {
        }
        %rem3A_441 = arith.constant 2 : i32
        %rem3A_442 = arith.remui %scan3A_262, %rem3A_441 : i32
        %rem3A_443 = arith.constant 2 : i32
        %rem3A_444 = arith.remui %scan3A_264, %rem3A_443 : i32
        %rem3A_445 = arith.constant 2 : i32
        %rem3A_446 = arith.remui %scan3A_266, %rem3A_445 : i32
        %rem3A_447 = arith.constant 2 : i32
        %rem3A_448 = arith.remui %scan3A_267, %rem3A_447 : i32
        "tpu.trace_start"() <{level = 10 : i32, message = "ep_run_kernel"}> : () -> ()
        %scan3A_449 = arith.constant 0 : i32
        %scan3A_450 = arith.constant 8 : i32
        %scan3A_451 = arith.addi %scan3A_449, %scan3A_450 : i32
        %scan3A_452 = arith.constant 1 : i32
        scf.for %scan3A_628 = %scan3A_449 to %scan3A_451 step %scan3A_452  : i32 {
          %mul3A_629 = arith.constant 16 : i32
          %mul3A_630 = arith.muli %scan3A_628, %mul3A_629 : i32
          %add3A_631 = arith.constant 0 : i32
          %add3A_632 = arith.addi %add3A_631, %mul3A_630 : i32
          %get3A = arith.constant 0 : i32
          %get3A_633 = arith.constant 0 : i32
          %get3A_634 = arith.constant 0 : i32
          %get3A_635 = tpu.memref_slice %run_scoped3A[%rem3A_442, %get3A_633, %get3A_634] : memref<2x1x128xi32, #tpu.memory_space<vmem>> -> memref<1x1x128xi32, #tpu.memory_space<vmem>>
          %get3A_636 = tpu.memref_squeeze %get3A_635 : memref<1x1x128xi32, #tpu.memory_space<vmem>> -> memref<1x128xi32, #tpu.memory_space<vmem>>
          %get3A_637 = arith.index_cast %get3A : i32 to index
          %get3A_638 = arith.index_cast %add3A_632 : i32 to index
          %get3A_639 = tpu.vector_load %get3A_636[%get3A_637, %get3A_638] {strides = array<i32>} : memref<1x128xi32, #tpu.memory_space<vmem>>, vector<16xi32>,
          %get3A_640 = arith.constant 0 : i32
          %get3A_641 = arith.constant 0 : i32
          %get3A_642 = arith.constant 0 : i32
          %get3A_643 = tpu.memref_slice %run_scoped3A_8[%rem3A_444, %get3A_641, %get3A_642] : memref<2x1x128xi32, #tpu.memory_space<vmem>> -> memref<1x1x128xi32, #tpu.memory_space<vmem>>
          %get3A_644 = tpu.memref_squeeze %get3A_643 : memref<1x1x128xi32, #tpu.memory_space<vmem>> -> memref<1x128xi32, #tpu.memory_space<vmem>>
          %get3A_645 = arith.index_cast %get3A_640 : i32 to index
          %get3A_646 = arith.index_cast %add3A_632 : i32 to index
          %get3A_647 = tpu.vector_load %get3A_644[%get3A_645, %get3A_646] {strides = array<i32>} : memref<1x128xi32, #tpu.memory_space<vmem>>, vector<16xi32>,
          %get3A_648 = arith.constant 0 : i32
          %get3A_649 = arith.constant 0 : i32
          %get3A_650 = arith.constant 0 : i32
          %get3A_651 = tpu.memref_slice %run_scoped3A_10[%rem3A_446, %get3A_649, %get3A_650] : memref<2x1x128xi32, #tpu.memory_space<vmem>> -> memref<1x1x128xi32, #tpu.memory_space<vmem>>
          %get3A_652 = tpu.memref_squeeze %get3A_651 : memref<1x1x128xi32, #tpu.memory_space<vmem>> -> memref<1x128xi32, #tpu.memory_space<vmem>>
          %get3A_653 = arith.index_cast %get3A_648 : i32 to index
          %get3A_654 = arith.index_cast %add3A_632 : i32 to index
          %get3A_655 = tpu.vector_load %get3A_652[%get3A_653, %get3A_654] {strides = array<i32>} : memref<1x128xi32, #tpu.memory_space<vmem>>, vector<16xi32>,
          %mul3A_656 = arith.constant 131 : i32
          %mul3A_657 = vector.broadcast %mul3A_656 : i32 to vector<16xi32>
          %mul3A_658 = arith.muli %get3A_647, %mul3A_657 : vector<16xi32>
          %add3A_659 = arith.addi %mul3A_658, %get3A_639 : vector<16xi32>
          %jit3A = arith.constant 1000000 : i32
          %eq3A_660 = arith.constant 0 : i32
          %eq3A_661 = arith.cmpi eq, %jit3A, %eq3A_660 : i32
          %jit3A_662 = arith.constant 1 : i32
          %select_n3A_663 = arith.select %eq3A_661, %jit3A_662, %jit3A : i32
          %rem3A_664 = vector.broadcast %select_n3A_663 : i32 to vector<16xi32>
          %rem3A_665 = arith.remsi %add3A_659, %rem3A_664 : vector<16xi32>
          %ne3A_666 = arith.constant 0 : i32
          %ne3A_667 = vector.broadcast %ne3A_666 : i32 to vector<16xi32>
          %ne3A_668 = arith.cmpi ne, %rem3A_665, %ne3A_667 : vector<16xi32>
          %lt3A = arith.constant 0 : i32
          %lt3A_669 = vector.broadcast %lt3A : i32 to vector<16xi32>
          %lt3A_670 = arith.cmpi slt, %rem3A_665, %lt3A_669 : vector<16xi32>
          %lt3A_671 = arith.constant 0 : i32
          %lt3A_672 = arith.cmpi slt, %select_n3A_663, %lt3A_671 : i32
          %ne3A_673 = vector.broadcast %lt3A_672 : i1 to vector<16xi1>
          %ne3A_674 = vector.broadcast %ne3A_673 : vector<16xi1> to vector<16xi1>
          %ne3A_675 = arith.xori %lt3A_670, %ne3A_674 : vector<16xi1>
          %and3A_676 = arith.andi %ne3A_675, %ne3A_668 : vector<16xi1>
          %add3A_677 = vector.broadcast %select_n3A_663 : i32 to vector<16xi32>
          %add3A_678 = arith.addi %rem3A_665, %add3A_677 : vector<16xi32>
          %select_n3A_679 = arith.select %and3A_676, %add3A_678, %rem3A_665 : vector<16xi1>, vector<16xi32>
          %swap3A = arith.index_cast %add3A_632 : i32 to index
          %swap3A_680 = tpu.vector_load %arg8[%swap3A] {strides = array<i32>} : memref<128xi32, #tpu.memory_space<vmem>>, vector<16xi32>,
          tpu.vector_store %arg8[%swap3A], %select_n3A_679 {strides = array<i32>} : memref<128xi32, #tpu.memory_space<vmem>>, vector<16xi32>,
          %mul3A_681 = arith.constant 173 : i32
          %mul3A_682 = vector.broadcast %mul3A_681 : i32 to vector<16xi32>
          %mul3A_683 = arith.muli %get3A_655, %mul3A_682 : vector<16xi32>
          %add3A_684 = arith.addi %mul3A_683, %add3A_659 : vector<16xi32>
          %jit3A_685 = arith.constant 1000000 : i32
          %eq3A_686 = arith.constant 0 : i32
          %eq3A_687 = arith.cmpi eq, %jit3A_685, %eq3A_686 : i32
          %jit3A_688 = arith.constant 1 : i32
          %select_n3A_689 = arith.select %eq3A_687, %jit3A_688, %jit3A_685 : i32
          %rem3A_690 = vector.broadcast %select_n3A_689 : i32 to vector<16xi32>
          %rem3A_691 = arith.remsi %add3A_684, %rem3A_690 : vector<16xi32>
          %ne3A_692 = arith.constant 0 : i32
          %ne3A_693 = vector.broadcast %ne3A_692 : i32 to vector<16xi32>
          %ne3A_694 = arith.cmpi ne, %rem3A_691, %ne3A_693 : vector<16xi32>
          %lt3A_695 = arith.constant 0 : i32
          %lt3A_696 = vector.broadcast %lt3A_695 : i32 to vector<16xi32>
          %lt3A_697 = arith.cmpi slt, %rem3A_691, %lt3A_696 : vector<16xi32>
          %lt3A_698 = arith.constant 0 : i32
          %lt3A_699 = arith.cmpi slt, %select_n3A_689, %lt3A_698 : i32
          %ne3A_700 = vector.broadcast %lt3A_699 : i1 to vector<16xi1>
          %ne3A_701 = vector.broadcast %ne3A_700 : vector<16xi1> to vector<16xi1>
          %ne3A_702 = arith.xori %lt3A_697, %ne3A_701 : vector<16xi1>
          %and3A_703 = arith.andi %ne3A_702, %ne3A_694 : vector<16xi1>
          %add3A_704 = vector.broadcast %select_n3A_689 : i32 to vector<16xi32>
          %add3A_705 = arith.addi %rem3A_691, %add3A_704 : vector<16xi32>
          %select_n3A_706 = arith.select %and3A_703, %add3A_705, %rem3A_691 : vector<16xi1>, vector<16xi32>
          %swap3A_707 = arith.index_cast %add3A_632 : i32 to index
          %swap3A_708 = tpu.vector_load %arg9[%swap3A_707] {strides = array<i32>} : memref<128xi32, #tpu.memory_space<vmem>>, vector<16xi32>,
          tpu.vector_store %arg9[%swap3A_707], %select_n3A_706 {strides = array<i32>} : memref<128xi32, #tpu.memory_space<vmem>>, vector<16xi32>,
        }
        %scan3A_453 = arith.constant 8 : i32
        %dma_start3A_454 = arith.constant 0 : i32
        %dma_start3A_455 = arith.constant 0 : i32
        %dma_start3A_456 = tpu.memref_slice %arg5[%dma_start3A_454, %dma_start3A_455] : memref<1000000x32xf32, #tpu.memory_space<hbm>> -> memref<1000000x32xf32, #tpu.memory_space<hbm>>
        tpu.enqueue_indirect_dma source(%dma_start3A_456 : memref<1000000x32xf32, #tpu.memory_space<hbm>>) target(%arg10 : memref<128x32xf32, #tpu.memory_space<vmem>>) offsets(%arg8 : memref<128xi32, #tpu.memory_space<vmem>>) semaphore(%arg12 : memref<!tpu.dma_semaphore, #tpu.memory_space<semaphore_mem>>)
        %dma_start3A_457 = arith.constant 0 : i32
        %dma_start3A_458 = arith.constant 0 : i32
        %dma_start3A_459 = tpu.memref_slice %arg6[%dma_start3A_457, %dma_start3A_458] : memref<1000000x32xf32, #tpu.memory_space<hbm>> -> memref<1000000x32xf32, #tpu.memory_space<hbm>>
        tpu.enqueue_indirect_dma source(%dma_start3A_459 : memref<1000000x32xf32, #tpu.memory_space<hbm>>) target(%arg11 : memref<128x32xf32, #tpu.memory_space<vmem>>) offsets(%arg9 : memref<128xi32, #tpu.memory_space<vmem>>) semaphore(%arg13 : memref<!tpu.dma_semaphore, #tpu.memory_space<semaphore_mem>>)
        %dma_wait3A_460 = arith.constant 0 : i32
        %dma_wait3A_461 = arith.constant 0 : i32
        %dma_wait3A_462 = tpu.memref_slice %arg5[%dma_wait3A_460, %dma_wait3A_461] : memref<1000000x32xf32, #tpu.memory_space<hbm>> -> memref<1000000x32xf32, #tpu.memory_space<hbm>>
        tpu.wait_indirect_dma semaphore(%arg12 : memref<!tpu.dma_semaphore, #tpu.memory_space<semaphore_mem>>) src(%dma_wait3A_462 : memref<1000000x32xf32, #tpu.memory_space<hbm>>) dst(%arg10 : memref<128x32xf32, #tpu.memory_space<vmem>>)
        %dma_wait3A_463 = arith.constant 0 : i32
        %dma_wait3A_464 = arith.constant 0 : i32
        %dma_wait3A_465 = tpu.memref_slice %arg6[%dma_wait3A_463, %dma_wait3A_464] : memref<1000000x32xf32, #tpu.memory_space<hbm>> -> memref<1000000x32xf32, #tpu.memory_space<hbm>>
        tpu.wait_indirect_dma semaphore(%arg13 : memref<!tpu.dma_semaphore, #tpu.memory_space<semaphore_mem>>) src(%dma_wait3A_465 : memref<1000000x32xf32, #tpu.memory_space<hbm>>) dst(%arg11 : memref<128x32xf32, #tpu.memory_space<vmem>>)
        %scan3A_466 = arith.constant 0 : i32
        %scan3A_467 = arith.constant 4 : i32
        %scan3A_468 = arith.addi %scan3A_466, %scan3A_467 : i32
        %scan3A_469 = arith.constant 1 : i32
        scf.for %scan3A_628 = %scan3A_466 to %scan3A_468 step %scan3A_469  : i32 {
          %mul3A_629 = arith.constant 1 : i32
          %mul3A_630 = arith.muli %scan3A_628, %mul3A_629 : i32
          %add3A_631 = arith.constant 0 : i32
          %add3A_632 = arith.addi %add3A_631, %mul3A_630 : i32
          %scan3A_633 = arith.constant 0 : i32
          %scan3A_634 = arith.constant 8 : i32
          %scan3A_635 = arith.addi %scan3A_633, %scan3A_634 : i32
          %scan3A_636 = arith.constant 1 : i32
          scf.for %scan3A_638 = %scan3A_633 to %scan3A_635 step %scan3A_636  : i32 {
            %mul3A_639 = arith.constant 1 : i32
            %mul3A_640 = arith.muli %scan3A_638, %mul3A_639 : i32
            %add3A_641 = arith.constant 0 : i32
            %add3A_642 = arith.addi %add3A_641, %mul3A_640 : i32
            %mul3A_643 = arith.constant 8 : i32
            %mul3A_644 = arith.muli %add3A_632, %mul3A_643 : i32
            %add3A_645 = arith.addi %mul3A_644, %add3A_642 : i32
            %broadcast_in_dim3A = vector.broadcast %add3A_645 : i32 to vector<16xi32>
            %scan3A_646 = arith.constant 0 : i32
            %scan3A_647 = arith.constant 8 : i32
            %scan3A_648 = arith.addi %scan3A_646, %scan3A_647 : i32
            %scan3A_649 = arith.constant 1 : i32
            scf.for %scan3A_651 = %scan3A_646 to %scan3A_648 step %scan3A_649  : i32 {
              %mul3A_652 = arith.constant 16 : i32
              %mul3A_653 = arith.muli %scan3A_651, %mul3A_652 : i32
              %add3A_654 = arith.constant 0 : i32
              %add3A_655 = arith.addi %add3A_654, %mul3A_653 : i32
              %iota3A = tpu.iota {dimensions = array<i32: 0>} : vector<16xi32>
              %add3A_656 = vector.broadcast %add3A_655 : i32 to vector<16xi32>
              %add3A_657 = arith.addi %iota3A, %add3A_656 : vector<16xi32>
              %gather3A = tpu.vector_load_idx %arg10[%add3A_657, %broadcast_in_dim3A] : memref<128x32xf32, #tpu.memory_space<vmem>>[vector<16xi32>, vector<16xi32>], vector<16xf32>,
              %gather3A_658 = tpu.vector_load_idx %arg11[%add3A_657, %broadcast_in_dim3A] : memref<128x32xf32, #tpu.memory_space<vmem>>[vector<16xi32>, vector<16xi32>], vector<16xf32>,
              %add3A_659 = arith.addf %gather3A, %gather3A_658 : vector<16xf32>
              %swap3A = arith.constant 0 : i32
              %swap3A_660 = arith.constant 0 : i32
              %swap3A_661 = arith.constant 0 : i32
              %swap3A_662 = arith.constant 0 : i32
              %swap3A_663 = arith.constant 0 : i32
              %swap3A_664 = arith.constant 0 : i32
              %swap3A_665 = arith.constant 0 : i32
              %swap3A_666 = tpu.memref_slice %run_scoped3A_12[%rem3A_448, %swap3A_661, %swap3A_662, %swap3A_663, %swap3A_664, %swap3A_665] : memref<2x1x4x1x8x128xf32, #tpu.memory_space<vmem>> -> memref<1x1x4x1x8x128xf32, #tpu.memory_space<vmem>>
              %swap3A_667 = tpu.memref_squeeze %swap3A_666 : memref<1x1x4x1x8x128xf32, #tpu.memory_space<vmem>> -> memref<1x4x1x8x128xf32, #tpu.memory_space<vmem>>
              %swap3A_668 = arith.index_cast %swap3A : i32 to index
              %swap3A_669 = arith.index_cast %add3A_632 : i32 to index
              %swap3A_670 = arith.index_cast %swap3A_660 : i32 to index
              %swap3A_671 = arith.index_cast %add3A_642 : i32 to index
              %swap3A_672 = arith.index_cast %add3A_655 : i32 to index
              %swap3A_673 = tpu.vector_load %swap3A_667[%swap3A_668, %swap3A_669, %swap3A_670, %swap3A_671, %swap3A_672] {strides = array<i32>} : memref<1x4x1x8x128xf32, #tpu.memory_space<vmem>>, vector<16xf32>,
              tpu.vector_store %swap3A_667[%swap3A_668, %swap3A_669, %swap3A_670, %swap3A_671, %swap3A_672], %add3A_659 {strides = array<i32>} : memref<1x4x1x8x128xf32, #tpu.memory_space<vmem>>, vector<16xf32>,
            }
            %scan3A_650 = arith.constant 8 : i32
          }
          %scan3A_637 = arith.constant 8 : i32
        }
        %scan3A_470 = arith.constant 4 : i32
        "tpu.trace_stop"() : () -> ()
        %ne3A_471 = arith.cmpi ne, %add3A_276, %add3A_314 : i32
        %ne3A_472 = arith.cmpi ne, %add3A_278, %add3A_316 : i32
        %or3A_473 = arith.constant false
        %or3A_474 = arith.ori %or3A_473, %ne3A_471 : i1
        %or3A_475 = arith.ori %or3A_474, %ne3A_472 : i1
        %or3A_476 = arith.ori %or3A_475, %eq3A_274 : i1
        %convert_element_type3A_477 = arith.extui %or3A_476 : i1 to i32
        %cond3A_478 = arith.constant 0 : i32
        %cond3A_479 = arith.cmpi ne, %convert_element_type3A_477, %cond3A_478 : i32
        scf.if %cond3A_479 {
        } else {
        }
        %and3A_480 = arith.constant false
        %and3A_481 = arith.andi %or3A_476, %and3A_480 : i1
        %ne3A_482 = arith.cmpi ne, %add3A_276, %add3A_314 : i32
        %ne3A_483 = arith.cmpi ne, %add3A_278, %add3A_316 : i32
        %or3A_484 = arith.constant false
        %or3A_485 = arith.ori %or3A_484, %ne3A_482 : i1
        %or3A_486 = arith.ori %or3A_485, %ne3A_483 : i1
        %or3A_487 = arith.ori %or3A_486, %eq3A_274 : i1
        %convert_element_type3A_488 = arith.extui %or3A_487 : i1 to i32
        %cond3A_489 = arith.constant 0 : i32
        %cond3A_490 = arith.cmpi ne, %convert_element_type3A_488, %cond3A_489 : i32
        scf.if %cond3A_490 {
        } else {
        }
        %and3A_491 = arith.constant false
        %and3A_492 = arith.andi %or3A_487, %and3A_491 : i1
        %ne3A_493 = arith.cmpi ne, %add3A_276, %add3A_314 : i32
        %ne3A_494 = arith.cmpi ne, %add3A_278, %add3A_316 : i32
        %or3A_495 = arith.constant false
        %or3A_496 = arith.ori %or3A_495, %ne3A_493 : i1
        %or3A_497 = arith.ori %or3A_496, %ne3A_494 : i1
        %or3A_498 = arith.ori %or3A_497, %eq3A_274 : i1
        %convert_element_type3A_499 = arith.extui %or3A_498 : i1 to i32
        %cond3A_500 = arith.constant 0 : i32
        %cond3A_501 = arith.cmpi ne, %convert_element_type3A_499, %cond3A_500 : i32
        scf.if %cond3A_501 {
        } else {
        }
        %and3A_502 = arith.constant false
        %and3A_503 = arith.andi %or3A_498, %and3A_502 : i1
        %ne3A_504 = arith.cmpi ne, %add3A_276, %add3A_314 : i32
        %ne3A_505 = arith.cmpi ne, %add3A_278, %add3A_316 : i32
        %or3A_506 = arith.constant false
        %or3A_507 = arith.ori %or3A_506, %ne3A_504 : i1
        %or3A_508 = arith.constant false
        %or3A_509 = arith.ori %or3A_507, %or3A_508 : i1
        %or3A_510 = arith.ori %or3A_509, %ne3A_505 : i1
        %or3A_511 = arith.constant false
        %or3A_512 = arith.ori %or3A_510, %or3A_511 : i1
        %or3A_513 = arith.constant false
        %or3A_514 = arith.ori %or3A_512, %or3A_513 : i1
        %or3A_515 = arith.ori %or3A_514, %eq3A_274 : i1
        %convert_element_type3A_516 = arith.extui %or3A_515 : i1 to i32
        %cond3A_517 = arith.constant 0 : i32
        %cond3A_518 = arith.cmpi ne, %convert_element_type3A_516, %cond3A_517 : i32
        scf.if %cond3A_518 {
          "tpu.trace_start"() <{level = 10 : i32, message = "ep_copy_out"}> : () -> ()
          %rem3A_628 = arith.constant 2 : i32
          %rem3A_629 = arith.remui %scan3A_267, %rem3A_628 : i32
          %mul3A_630 = arith.constant 1 : i32
          %mul3A_631 = arith.muli %mul3A_630, %add3A_276 : i32
          %mul3A_632 = arith.constant 1 : i32
          %mul3A_633 = arith.muli %mul3A_632, %add3A_278 : i32
          %dma_start3A_634 = arith.constant 0 : i32
          %dma_start3A_635 = arith.constant 0 : i32
          %dma_start3A_636 = arith.constant 0 : i32
          %dma_start3A_637 = arith.constant 0 : i32
          %dma_start3A_638 = arith.constant 0 : i32
          %dma_start3A_639 = tpu.memref_slice %run_scoped3A_12[%rem3A_629, %dma_start3A_634, %dma_start3A_635, %dma_start3A_636, %dma_start3A_637, %dma_start3A_638] : memref<2x1x4x1x8x128xf32, #tpu.memory_space<vmem>> -> memref<1x1x4x1x8x128xf32, #tpu.memory_space<vmem>>
          %dma_start3A_640 = tpu.memref_squeeze %dma_start3A_639 : memref<1x1x4x1x8x128xf32, #tpu.memory_space<vmem>> -> memref<1x4x1x8x128xf32, #tpu.memory_space<vmem>>
          %dma_start3A_641 = arith.constant 0 : i32
          %dma_start3A_642 = arith.constant 0 : i32
          %dma_start3A_643 = arith.constant 0 : i32
          %dma_start3A_644 = tpu.memref_slice %arg7[%mul3A_631, %dma_start3A_641, %mul3A_633, %dma_start3A_642, %dma_start3A_643] : memref<200x4x32x8x128xf32, #tpu.memory_space<hbm>> -> memref<1x4x1x8x128xf32, #tpu.memory_space<hbm>>
          %dma_start3A_645 = tpu.memref_slice %run_scoped3A_13[%rem3A_629] : memref<2x!tpu.dma_semaphore, #tpu.memory_space<semaphore_mem>> -> memref<1x!tpu.dma_semaphore, #tpu.memory_space<semaphore_mem>>
          %dma_start3A_646 = tpu.memref_squeeze %dma_start3A_645 : memref<1x!tpu.dma_semaphore, #tpu.memory_space<semaphore_mem>> -> memref<!tpu.dma_semaphore, #tpu.memory_space<semaphore_mem>>
          %dma_start3A_647 = arith.constant 0 : i32
          %dma_start3A_648 = arith.constant 0 : i32
          %dma_start3A_649 = arith.constant 0 : i32
          %dma_start3A_650 = tpu.memref_slice %arg7[%mul3A_631, %dma_start3A_647, %mul3A_633, %dma_start3A_648, %dma_start3A_649] : memref<200x4x32x8x128xf32, #tpu.memory_space<hbm>> -> memref<1x4x1x8x128xf32, #tpu.memory_space<hbm>>
          %dma_start3A_651 = arith.constant 0 : i32
          %dma_start3A_652 = arith.constant 0 : i32
          %dma_start3A_653 = arith.constant 0 : i32
          %dma_start3A_654 = arith.constant 0 : i32
          %dma_start3A_655 = arith.constant 0 : i32
          %dma_start3A_656 = tpu.memref_slice %run_scoped3A_12[%rem3A_629, %dma_start3A_651, %dma_start3A_652, %dma_start3A_653, %dma_start3A_654, %dma_start3A_655] : memref<2x1x4x1x8x128xf32, #tpu.memory_space<vmem>> -> memref<1x1x4x1x8x128xf32, #tpu.memory_space<vmem>>
          %dma_start3A_657 = tpu.memref_squeeze %dma_start3A_656 : memref<1x1x4x1x8x128xf32, #tpu.memory_space<vmem>> -> memref<1x4x1x8x128xf32, #tpu.memory_space<vmem>>
          tpu.enqueue_dma source(%dma_start3A_657 : memref<1x4x1x8x128xf32, #tpu.memory_space<vmem>>) target(%dma_start3A_650 : memref<1x4x1x8x128xf32, #tpu.memory_space<hbm>>) target_semaphore(%dma_start3A_646 : memref<!tpu.dma_semaphore, #tpu.memory_space<semaphore_mem>>)
          "tpu.trace_stop"() : () -> ()
        } else {
        }
        %and3A_519 = arith.constant true
        %and3A_520 = arith.andi %or3A_515, %and3A_519 : i1
        %add3A_521 = arith.constant 1 : i32
        %add3A_522 = arith.addi %scan3A_267, %add3A_521 : i32
        %select_n3A_523 = arith.select %and3A_520, %add3A_522, %scan3A_267 : i32
        %ne3A_524 = arith.cmpi ne, %add3A_276, %add3A_295 : i32
        %ne3A_525 = arith.cmpi ne, %add3A_278, %add3A_297 : i32
        %or3A_526 = arith.constant false
        %or3A_527 = arith.ori %or3A_526, %ne3A_524 : i1
        %or3A_528 = arith.ori %or3A_527, %ne3A_525 : i1
        %not3A_529 = arith.constant true
        %not3A_530 = arith.xori %eq3A_272, %not3A_529 : i1
        %and3A_531 = arith.andi %or3A_528, %not3A_530 : i1
        %convert_element_type3A_532 = arith.extui %and3A_531 : i1 to i32
        %cond3A_533 = arith.constant 0 : i32
        %cond3A_534 = arith.cmpi ne, %convert_element_type3A_532, %cond3A_533 : i32
        scf.if %cond3A_534 {
        } else {
        }
        %and3A_535 = arith.constant false
        %and3A_536 = arith.andi %and3A_531, %and3A_535 : i1
        %ne3A_537 = arith.cmpi ne, %add3A_276, %add3A_295 : i32
        %ne3A_538 = arith.cmpi ne, %add3A_278, %add3A_297 : i32
        %or3A_539 = arith.constant false
        %or3A_540 = arith.ori %or3A_539, %ne3A_537 : i1
        %or3A_541 = arith.ori %or3A_540, %ne3A_538 : i1
        %not3A_542 = arith.constant true
        %not3A_543 = arith.xori %eq3A_272, %not3A_542 : i1
        %and3A_544 = arith.andi %or3A_541, %not3A_543 : i1
        %convert_element_type3A_545 = arith.extui %and3A_544 : i1 to i32
        %cond3A_546 = arith.constant 0 : i32
        %cond3A_547 = arith.cmpi ne, %convert_element_type3A_545, %cond3A_546 : i32
        scf.if %cond3A_547 {
        } else {
        }
        %and3A_548 = arith.constant false
        %and3A_549 = arith.andi %and3A_544, %and3A_548 : i1
        %ne3A_550 = arith.cmpi ne, %add3A_276, %add3A_295 : i32
        %ne3A_551 = arith.cmpi ne, %add3A_278, %add3A_297 : i32
        %or3A_552 = arith.constant false
        %or3A_553 = arith.ori %or3A_552, %ne3A_550 : i1
        %or3A_554 = arith.ori %or3A_553, %ne3A_551 : i1
        %not3A_555 = arith.constant true
        %not3A_556 = arith.xori %eq3A_272, %not3A_555 : i1
        %and3A_557 = arith.andi %or3A_554, %not3A_556 : i1
        %convert_element_type3A_558 = arith.extui %and3A_557 : i1 to i32
        %cond3A_559 = arith.constant 0 : i32
        %cond3A_560 = arith.cmpi ne, %convert_element_type3A_558, %cond3A_559 : i32
        scf.if %cond3A_560 {
        } else {
        }
        %and3A_561 = arith.constant false
        %and3A_562 = arith.andi %and3A_557, %and3A_561 : i1
        %ne3A_563 = arith.cmpi ne, %add3A_276, %add3A_295 : i32
        %ne3A_564 = arith.cmpi ne, %add3A_278, %add3A_297 : i32
        %or3A_565 = arith.constant false
        %or3A_566 = arith.ori %or3A_565, %ne3A_563 : i1
        %or3A_567 = arith.constant false
        %or3A_568 = arith.ori %or3A_566, %or3A_567 : i1
        %or3A_569 = arith.ori %or3A_568, %ne3A_564 : i1
        %or3A_570 = arith.constant false
        %or3A_571 = arith.ori %or3A_569, %or3A_570 : i1
        %or3A_572 = arith.constant false
        %or3A_573 = arith.ori %or3A_571, %or3A_572 : i1
        %not3A_574 = arith.constant true
        %not3A_575 = arith.xori %eq3A_272, %not3A_574 : i1
        %and3A_576 = arith.andi %or3A_573, %not3A_575 : i1
        %convert_element_type3A_577 = arith.extui %and3A_576 : i1 to i32
        %cond3A_578 = arith.constant 0 : i32
        %cond3A_579 = arith.cmpi ne, %convert_element_type3A_577, %cond3A_578 : i32
        scf.if %cond3A_579 {
          "tpu.trace_start"() <{level = 10 : i32, message = "ep_wait_out"}> : () -> ()
          %rem3A_628 = arith.constant 2 : i32
          %rem3A_629 = arith.remui %scan3A_268, %rem3A_628 : i32
          %mul3A_630 = arith.constant 1 : i32
          %mul3A_631 = arith.muli %mul3A_630, %add3A_295 : i32
          %mul3A_632 = arith.constant 1 : i32
          %mul3A_633 = arith.muli %mul3A_632, %add3A_297 : i32
          %dma_wait3A_634 = arith.constant 0 : i32
          %dma_wait3A_635 = arith.constant 0 : i32
          %dma_wait3A_636 = arith.constant 0 : i32
          %dma_wait3A_637 = arith.constant 0 : i32
          %dma_wait3A_638 = arith.constant 0 : i32
          %dma_wait3A_639 = tpu.memref_slice %run_scoped3A_12[%rem3A_629, %dma_wait3A_634, %dma_wait3A_635, %dma_wait3A_636, %dma_wait3A_637, %dma_wait3A_638] : memref<2x1x4x1x8x128xf32, #tpu.memory_space<vmem>> -> memref<1x1x4x1x8x128xf32, #tpu.memory_space<vmem>>
          %dma_wait3A_640 = tpu.memref_squeeze %dma_wait3A_639 : memref<1x1x4x1x8x128xf32, #tpu.memory_space<vmem>> -> memref<1x4x1x8x128xf32, #tpu.memory_space<vmem>>
          %dma_wait3A_641 = arith.constant 0 : i32
          %dma_wait3A_642 = arith.constant 0 : i32
          %dma_wait3A_643 = arith.constant 0 : i32
          %dma_wait3A_644 = tpu.memref_slice %arg7[%mul3A_631, %dma_wait3A_641, %mul3A_633, %dma_wait3A_642, %dma_wait3A_643] : memref<200x4x32x8x128xf32, #tpu.memory_space<hbm>> -> memref<1x4x1x8x128xf32, #tpu.memory_space<hbm>>
          %dma_wait3A_645 = tpu.memref_slice %run_scoped3A_13[%rem3A_629] : memref<2x!tpu.dma_semaphore, #tpu.memory_space<semaphore_mem>> -> memref<1x!tpu.dma_semaphore, #tpu.memory_space<semaphore_mem>>
          %dma_wait3A_646 = tpu.memref_squeeze %dma_wait3A_645 : memref<1x!tpu.dma_semaphore, #tpu.memory_space<semaphore_mem>> -> memref<!tpu.dma_semaphore, #tpu.memory_space<semaphore_mem>>
          %dma_wait3A_647 = arith.constant 0 : i32
          %dma_wait3A_648 = arith.constant 0 : i32
          %dma_wait3A_649 = arith.constant 0 : i32
          %dma_wait3A_650 = tpu.memref_slice %arg7[%mul3A_631, %dma_wait3A_647, %mul3A_633, %dma_wait3A_648, %dma_wait3A_649] : memref<200x4x32x8x128xf32, #tpu.memory_space<hbm>> -> memref<1x4x1x8x128xf32, #tpu.memory_space<hbm>>
          %dma_wait3A_651 = arith.constant 0 : i32
          %dma_wait3A_652 = arith.constant 0 : i32
          %dma_wait3A_653 = arith.constant 0 : i32
          %dma_wait3A_654 = arith.constant 0 : i32
          %dma_wait3A_655 = arith.constant 0 : i32
          %dma_wait3A_656 = tpu.memref_slice %run_scoped3A_12[%rem3A_629, %dma_wait3A_651, %dma_wait3A_652, %dma_wait3A_653, %dma_wait3A_654, %dma_wait3A_655] : memref<2x1x4x1x8x128xf32, #tpu.memory_space<vmem>> -> memref<1x1x4x1x8x128xf32, #tpu.memory_space<vmem>>
          %dma_wait3A_657 = tpu.memref_squeeze %dma_wait3A_656 : memref<1x1x4x1x8x128xf32, #tpu.memory_space<vmem>> -> memref<1x4x1x8x128xf32, #tpu.memory_space<vmem>>
          tpu.wait_dma2 semaphore(%dma_wait3A_646 : memref<!tpu.dma_semaphore, #tpu.memory_space<semaphore_mem>>) src(%dma_wait3A_657 : memref<1x4x1x8x128xf32, #tpu.memory_space<vmem>>) dst(%dma_wait3A_650 : memref<1x4x1x8x128xf32, #tpu.memory_space<hbm>>)
          "tpu.trace_stop"() : () -> ()
        } else {
        }
        %and3A_580 = arith.constant true
        %and3A_581 = arith.andi %and3A_576, %and3A_580 : i1
        %add3A_582 = arith.constant 1 : i32
        %add3A_583 = arith.addi %scan3A_268, %add3A_582 : i32
        %select_n3A_584 = arith.select %and3A_581, %add3A_583, %scan3A_268 : i32
        %ne3A_585 = arith.cmpi ne, %add3A_276, %add3A_314 : i32
        %ne3A_586 = arith.cmpi ne, %add3A_278, %add3A_316 : i32
        %or3A_587 = arith.constant false
        %or3A_588 = arith.ori %or3A_587, %ne3A_585 : i1
        %or3A_589 = arith.ori %or3A_588, %ne3A_586 : i1
        %or3A_590 = arith.ori %or3A_589, %eq3A_274 : i1
        %add3A_591 = arith.constant 1 : i32
        %add3A_592 = arith.addi %scan3A_262, %add3A_591 : i32
        %select_n3A_593 = arith.select %or3A_590, %add3A_592, %scan3A_262 : i32
        %ne3A_594 = arith.cmpi ne, %add3A_276, %add3A_314 : i32
        %ne3A_595 = arith.cmpi ne, %add3A_278, %add3A_316 : i32
        %or3A_596 = arith.constant false
        %or3A_597 = arith.ori %or3A_596, %ne3A_594 : i1
        %or3A_598 = arith.ori %or3A_597, %ne3A_595 : i1
        %or3A_599 = arith.ori %or3A_598, %eq3A_274 : i1
        %add3A_600 = arith.constant 1 : i32
        %add3A_601 = arith.addi %scan3A_264, %add3A_600 : i32
        %select_n3A_602 = arith.select %or3A_599, %add3A_601, %scan3A_264 : i32
        %ne3A_603 = arith.cmpi ne, %add3A_276, %add3A_314 : i32
        %ne3A_604 = arith.cmpi ne, %add3A_278, %add3A_316 : i32
        %or3A_605 = arith.constant false
        %or3A_606 = arith.ori %or3A_605, %ne3A_603 : i1
        %or3A_607 = arith.ori %or3A_606, %ne3A_604 : i1
        %or3A_608 = arith.ori %or3A_607, %eq3A_274 : i1
        %add3A_609 = arith.constant 1 : i32
        %add3A_610 = arith.addi %scan3A_266, %add3A_609 : i32
        %select_n3A_611 = arith.select %or3A_608, %add3A_610, %scan3A_266 : i32
        %select_n3A_612 = arith.constant true
        %select_n3A_613 = arith.constant 0 : i32
        %select_n3A_614 = arith.constant 1 : i32
        %select_n3A_615 = arith.select %select_n3A_612, %select_n3A_614, %select_n3A_613 : i32
        %eq3A_616 = arith.constant 1 : i32
        %eq3A_617 = arith.cmpi eq, %select_n3A_615, %eq3A_616 : i32
        %select_n3A_618 = arith.constant 0 : i32
        %select_n3A_619 = arith.select %eq3A_617, %select_n3A_618, %select_n3A_615 : i32
        %add3A_620 = arith.constant 1 : i32
        %add3A_621 = arith.addi %scan3A_269, %add3A_620 : i32
        %select_n3A_622 = arith.select %eq3A_617, %add3A_621, %scan3A_269 : i32
        %eq3A_623 = arith.constant 200 : i32
        %eq3A_624 = arith.cmpi eq, %select_n3A_622, %eq3A_623 : i32
        %select_n3A_625 = arith.constant 0 : i32
        %select_n3A_626 = arith.select %eq3A_624, %select_n3A_625, %select_n3A_622 : i32
        %scan3A_627 = arith.constant 0 : i32
        scf.yield %select_n3A_346, %select_n3A_593, %select_n3A_364, %select_n3A_602, %select_n3A_382, %select_n3A_611, %select_n3A_523, %select_n3A_584, %select_n3A_626, %scan3A_627 : i32, i32, i32, i32, i32, i32, i32, i32, i32, i32
      }
      %scan3A_155 = arith.constant 200 : i32
      %sub3A = arith.constant 1 : i32
      %sub3A_156 = arith.subi %scan3A_154#9, %sub3A : i32
      %select_n3A_157 = arith.constant true
      %select_n3A_158 = arith.select %select_n3A_157, %sub3A_156, %scan3A_154#9 : i32
      %eq3A_159 = arith.constant -1 : i32
      %eq3A_160 = arith.cmpi eq, %select_n3A_158, %eq3A_159 : i32
      %select_n3A_161 = arith.constant 0 : i32
      %select_n3A_162 = arith.select %eq3A_160, %select_n3A_161, %select_n3A_158 : i32
      %sub3A_163 = arith.constant 1 : i32
      %sub3A_164 = arith.subi %scan3A_154#8, %sub3A_163 : i32
      %select_n3A_165 = arith.select %eq3A_160, %sub3A_164, %scan3A_154#8 : i32
      %eq3A_166 = arith.constant -1 : i32
      %eq3A_167 = arith.cmpi eq, %select_n3A_165, %eq3A_166 : i32
      %select_n3A_168 = arith.constant 199 : i32
      %select_n3A_169 = arith.select %eq3A_167, %select_n3A_168, %select_n3A_165 : i32
      %add3A_170 = arith.constant 0 : i32
      %add3A_171 = arith.addi %select_n3A_169, %add3A_170 : i32
      %add3A_172 = arith.constant 0 : i32
      %add3A_173 = arith.addi %add3A_172, %mul3A_6 : i32
      %select_n3A_174 = arith.constant true
      %select_n3A_175 = arith.constant 0 : i32
      %select_n3A_176 = arith.constant -1 : i32
      %select_n3A_177 = arith.select %select_n3A_174, %select_n3A_176, %select_n3A_175 : i32
      %eq3A_178 = arith.constant -1 : i32
      %eq3A_179 = arith.cmpi eq, %select_n3A_177, %eq3A_178 : i32
      %select_n3A_180 = arith.constant 0 : i32
      %select_n3A_181 = arith.select %eq3A_179, %select_n3A_180, %select_n3A_177 : i32
      %sub3A_182 = arith.constant 1 : i32
      %sub3A_183 = arith.subi %select_n3A_169, %sub3A_182 : i32
      %select_n3A_184 = arith.select %eq3A_179, %sub3A_183, %select_n3A_169 : i32
      %eq3A_185 = arith.constant -1 : i32
      %eq3A_186 = arith.cmpi eq, %select_n3A_184, %eq3A_185 : i32
      %select_n3A_187 = arith.constant 199 : i32
      %select_n3A_188 = arith.select %eq3A_186, %select_n3A_187, %select_n3A_184 : i32
      %add3A_189 = arith.constant 0 : i32
      %add3A_190 = arith.addi %select_n3A_188, %add3A_189 : i32
      %add3A_191 = arith.constant 0 : i32
      %add3A_192 = arith.addi %add3A_191, %mul3A_6 : i32
      %select_n3A_193 = arith.constant true
      %select_n3A_194 = arith.constant 0 : i32
      %select_n3A_195 = arith.constant 1 : i32
      %select_n3A_196 = arith.select %select_n3A_193, %select_n3A_195, %select_n3A_194 : i32
      %eq3A_197 = arith.constant 1 : i32
      %eq3A_198 = arith.cmpi eq, %select_n3A_196, %eq3A_197 : i32
      %select_n3A_199 = arith.constant 0 : i32
      %select_n3A_200 = arith.select %eq3A_198, %select_n3A_199, %select_n3A_196 : i32
      %add3A_201 = arith.constant 1 : i32
      %add3A_202 = arith.addi %select_n3A_169, %add3A_201 : i32
      %select_n3A_203 = arith.select %eq3A_198, %add3A_202, %select_n3A_169 : i32
      %eq3A_204 = arith.constant 200 : i32
      %eq3A_205 = arith.cmpi eq, %select_n3A_203, %eq3A_204 : i32
      %select_n3A_206 = arith.constant 0 : i32
      %select_n3A_207 = arith.select %eq3A_205, %select_n3A_206, %select_n3A_203 : i32
      %add3A_208 = arith.constant 0 : i32
      %add3A_209 = arith.addi %select_n3A_207, %add3A_208 : i32
      %add3A_210 = arith.constant 0 : i32
      %add3A_211 = arith.addi %add3A_210, %mul3A_6 : i32
      %select_n3A_212 = arith.constant true
      %select_n3A_213 = arith.constant 0 : i32
      %select_n3A_214 = arith.constant 1 : i32
      %select_n3A_215 = arith.select %select_n3A_212, %select_n3A_214, %select_n3A_213 : i32
      %eq3A_216 = arith.constant 1 : i32
      %eq3A_217 = arith.cmpi eq, %select_n3A_215, %eq3A_216 : i32
      %select_n3A_218 = arith.constant 0 : i32
      %select_n3A_219 = arith.select %eq3A_217, %select_n3A_218, %select_n3A_215 : i32
      %add3A_220 = arith.constant 1 : i32
      %add3A_221 = arith.addi %select_n3A_207, %add3A_220 : i32
      %select_n3A_222 = arith.select %eq3A_217, %add3A_221, %select_n3A_207 : i32
      %eq3A_223 = arith.constant 200 : i32
      %eq3A_224 = arith.cmpi eq, %select_n3A_222, %eq3A_223 : i32
      %select_n3A_225 = arith.constant 0 : i32
      %select_n3A_226 = arith.select %eq3A_224, %select_n3A_225, %select_n3A_222 : i32
      %add3A_227 = arith.constant 0 : i32
      %add3A_228 = arith.addi %select_n3A_226, %add3A_227 : i32
      %add3A_229 = arith.constant 0 : i32
      %add3A_230 = arith.addi %add3A_229, %mul3A_6 : i32
      "tpu.trace_start"() <{level = 10 : i32, message = "ep_finalize"}> : () -> ()
      %rem3A_231 = arith.constant 2 : i32
      %rem3A_232 = arith.remui %scan3A_154#7, %rem3A_231 : i32
      %mul3A_233 = arith.constant 1 : i32
      %mul3A_234 = arith.muli %mul3A_233, %add3A_171 : i32
      %mul3A_235 = arith.constant 1 : i32
      %mul3A_236 = arith.muli %mul3A_235, %add3A_173 : i32
      %dma_wait3A = arith.constant 0 : i32
      %dma_wait3A_237 = arith.constant 0 : i32
      %dma_wait3A_238 = arith.constant 0 : i32
      %dma_wait3A_239 = arith.constant 0 : i32
      %dma_wait3A_240 = arith.constant 0 : i32
      %dma_wait3A_241 = tpu.memref_slice %run_scoped3A_12[%rem3A_232, %dma_wait3A, %dma_wait3A_237, %dma_wait3A_238, %dma_wait3A_239, %dma_wait3A_240] : memref<2x1x4x1x8x128xf32, #tpu.memory_space<vmem>> -> memref<1x1x4x1x8x128xf32, #tpu.memory_space<vmem>>
      %dma_wait3A_242 = tpu.memref_squeeze %dma_wait3A_241 : memref<1x1x4x1x8x128xf32, #tpu.memory_space<vmem>> -> memref<1x4x1x8x128xf32, #tpu.memory_space<vmem>>
      %dma_wait3A_243 = arith.constant 0 : i32
      %dma_wait3A_244 = arith.constant 0 : i32
      %dma_wait3A_245 = arith.constant 0 : i32
      %dma_wait3A_246 = tpu.memref_slice %arg7[%mul3A_234, %dma_wait3A_243, %mul3A_236, %dma_wait3A_244, %dma_wait3A_245] : memref<200x4x32x8x128xf32, #tpu.memory_space<hbm>> -> memref<1x4x1x8x128xf32, #tpu.memory_space<hbm>>
      %dma_wait3A_247 = tpu.memref_slice %run_scoped3A_13[%rem3A_232] : memref<2x!tpu.dma_semaphore, #tpu.memory_space<semaphore_mem>> -> memref<1x!tpu.dma_semaphore, #tpu.memory_space<semaphore_mem>>
      %dma_wait3A_248 = tpu.memref_squeeze %dma_wait3A_247 : memref<1x!tpu.dma_semaphore, #tpu.memory_space<semaphore_mem>> -> memref<!tpu.dma_semaphore, #tpu.memory_space<semaphore_mem>>
      %dma_wait3A_249 = arith.constant 0 : i32
      %dma_wait3A_250 = arith.constant 0 : i32
      %dma_wait3A_251 = arith.constant 0 : i32
      %dma_wait3A_252 = tpu.memref_slice %arg7[%mul3A_234, %dma_wait3A_249, %mul3A_236, %dma_wait3A_250, %dma_wait3A_251] : memref<200x4x32x8x128xf32, #tpu.memory_space<hbm>> -> memref<1x4x1x8x128xf32, #tpu.memory_space<hbm>>
      %dma_wait3A_253 = arith.constant 0 : i32
      %dma_wait3A_254 = arith.constant 0 : i32
      %dma_wait3A_255 = arith.constant 0 : i32
      %dma_wait3A_256 = arith.constant 0 : i32
      %dma_wait3A_257 = arith.constant 0 : i32
      %dma_wait3A_258 = tpu.memref_slice %run_scoped3A_12[%rem3A_232, %dma_wait3A_253, %dma_wait3A_254, %dma_wait3A_255, %dma_wait3A_256, %dma_wait3A_257] : memref<2x1x4x1x8x128xf32, #tpu.memory_space<vmem>> -> memref<1x1x4x1x8x128xf32, #tpu.memory_space<vmem>>
      %dma_wait3A_259 = tpu.memref_squeeze %dma_wait3A_258 : memref<1x1x4x1x8x128xf32, #tpu.memory_space<vmem>> -> memref<1x4x1x8x128xf32, #tpu.memory_space<vmem>>
      tpu.wait_dma2 semaphore(%dma_wait3A_248 : memref<!tpu.dma_semaphore, #tpu.memory_space<semaphore_mem>>) src(%dma_wait3A_259 : memref<1x4x1x8x128xf32, #tpu.memory_space<vmem>>) dst(%dma_wait3A_252 : memref<1x4x1x8x128xf32, #tpu.memory_space<hbm>>)
      "tpu.trace_stop"() : () -> ()
      tpu.yield
    }) : () -> ()
    return
  }
}

</mosaic_0001>

<sc_bundles>
// kernel: kernel.3.cloned.1.call-start
scs
__scs_entry_jumppad:
0x0: {  	(pc) =	sbr.rel $0x88, $3  }
0x1: {  	(tag) =	ssettag $0x0;
	lr =	simm.s32 $0x1  }
0x2: {  	[smem:$0x3F9E] =	sst lr;
	_ =	strace $0xD0000000  }
0x3: {  	_ = 	snop  }
0x4: {  	_ = 	snop  }
0x5: {  	_ = 	snop  }
0x6: {  	_ = 	snop  }
0x7: {  	_ = 	snop  }
__scs_overlays_trampoline_lowered:
0x8: {  	[smem:$0x3FAD] =	sst s0  }
0x9: {  	[smem:$0x3FAE] =	sst s1  }
0xa: {  	[smem:$0x3FAF] =	sst s2  }
0xb: {  	[smem:$0x3FB0] =	sst s3  }
0xc: {  	[smem:$0x3FB1] =	sst s4  }
0xd: {  	[smem:$0x3FB2] =	sst s5  }
0xe: {  	[smem:$0x3FB3] =	sst s6  }
0xf: {  	[smem:$0x3FB4] =	sst s7  }
0x10: {  	[smem:$0x3FB5] =	sst s8  }
0x11: {  	[smem:$0x3FB6] =	sst s9;
	s0 =	simm.s32 @!p0 $0x0  }
0x12: {  	s1 =	sld [smem:$0x3F9C];
	s0 =	simm.s32 @p0 $0x1  }
0x13: {  	[smem:$0x3FB7] =	sst s0;
	s0 =	simm.s32 @!p1 $0x0  }
0x14: {  	s2 =	sld [smem:$0x3F9B];
	s0 =	simm.s32 @p1 $0x1  }
0x15: {  	[smem:$0x3FB8] =	sst s0;
	s0 =	simm.s32 @!p2 $0x0  }
0x16: {  	s3 =	sld [smem:$0x3FDB];
	s0 =	simm.s32 @p2 $0x1  }
0x17: {  	s4 =	simm.s32 $0x1BF5;
	[smem:$0x3FBA] =	sst s0  }
0x18: {  	s0 =	sld [smem:$0x3F9D];
	_ =	swait.ge [sflag:s4], $0x0  }
0x19: {  	s7 =	sld [smem:$0x3F9E]  }
0x1a: {  	s8 =	sadd.s32 $0xFFFFE003, lr  }
0x1b: {  	s9 =	sadd.s32 $0xFFFFFEF7, lr;
	s5 =	simm.s32 $0xFFFFFFFF;
	p2 =	slt.u32 s8, $0xFFFFF086  }
0x1c: {  	p1 =	slt.u32 s9, $0xF7A;
	s5 =	simm.s32 @!p2 $0x0  }
0x1d: {  	s5 =	simm.s32 @p1 $0x1;
	p0 =	seq.s32 s7, s2  }
0x1e: {  	s7 =	smul.u32 @!p0 $0xF7A, s2;
	p2 =	seq.s32 @!p0 s5, $0x0  }
0x1f: {  	s9 =	smul.u32 $0xF7A, s1;
	s8 =	simm.s32 @!p0 $0x1BF5;
	p2 =	por !p2, p0  }
0x20: {  	[sflag:s8] =	ssyncset.s32 @!p0 $0xFFFFF086;
	s6 =	sadd.s32 @!p0 s3, s7;
	s7 =	simm.s32 @!p0 $0x108  }
0x21: {  	s3 =	sadd.s32 s3, s9;
	s6 =	sadd.s32 @!p0 $0x88, s6;
	s7 =	simm.s32 @p2 $0x1082  }
0x22: {  	[simem:s7], [sflag:s8] =	dma.local @!p0 [hbm:s6], $0xF7A  }
0x23: {  	s9 =	sor.u32 $0xD0000000, s2;
	s6 =	simm.s32 $0x108;
	_ =	swait.ge @!p0 [sflag:s8], $0x0  }
0x24: {  	s3 =	sadd.s32 $0x88, s3;
	s6 =	simm.s32 @!p1 $0x1082;
	[sflag:s4] =	ssyncset.s32 $0xFFFFF086  }
0x25: {  	[simem:s6], [sflag:s4] =	dma.local [hbm:s3], $0xF7A  }
0x26: {  	[smem:$0x3F9E] =	sst s1;
	(tag) =	ssettag s2;
	_ =	strace s9  }
0x27: {  	s1 =	sld [smem:$0x3FAE]  }
0x28: {  	s2 =	sld [smem:$0x3FAF]  }
0x29: {  	s4 =	sld [smem:$0x3FB1]  }
0x2a: {  	p0 =	seq.s32 s5, $0x0;
	s5 =	sld [smem:$0x3FB2]  }
0x2b: {  	s6 =	sld [smem:$0x3FB3]  }
0x2c: {  	s7 =	sld [smem:$0x3FB4]  }
0x2d: {  	s3 =	simm.s32 $0x108;
	s8 =	sld [smem:$0x3FB5]  }
0x2e: {  	s3 =	simm.s32 @!p0 $0x1082;
	s9 =	sld [smem:$0x3FB6]  }
0x2f: {  	lr =	sadd.s32 s0, s3;
	s0 =	sld [smem:$0x3FAD]  }
0x30: {  	s3 =	sld [smem:$0x3FB0]  }
0x31: {  	[smem:$0x3FB9] =	sst s10  }
0x32: {  	s10 =	sld [smem:$0x3FB7];
	_ =	sdelay $0x3  }
0x33: {  	p0 =	seq.s32 s10, $0x1;
	s10 =	sld [smem:$0x3FB9];
	_ =	sdelay $0x3  }
0x34: {  	[smem:$0x3FB9] =	sst s10  }
0x35: {  	s10 =	sld [smem:$0x3FB8];
	_ =	sdelay $0x3  }
0x36: {  	p1 =	seq.s32 s10, $0x1;
	s10 =	sld [smem:$0x3FB9];
	_ =	sdelay $0x3  }
0x37: {  	[smem:$0x3FB9] =	sst s10  }
0x38: {  	s10 =	sld [smem:$0x3FBA]  }
0x39: {  	_ = 	snop;
	(pc) =	sbr.ind lr, $3  }
0x3a: {  	_ = 	snop  }
0x3b: {  	_ = 	snop  }
0x3c: {  	p2 =	seq.s32 s10, $0x1;
	s10 =	sld [smem:$0x3FB9]  }
0x3d: {  	_ =	shalt  }
0x3e: {  	_ =	shalt  }
0x3f: {  	_ =	shalt  }
0x40: {  	_ =	shalt  }
0x41: {  	_ =	shalt  }
0x42: {  	_ =	shalt  }
0x43: {  	_ =	shalt  }
0x44: {  	_ =	shalt  }
0x45: {  	_ =	shalt  }
0x46: {  	_ =	shalt  }
0x47: {  	_ =	shalt  }
0x48: {  	_ =	shalt  }
0x49: {  	_ =	shalt  }
0x4a: {  	_ =	shalt  }
0x4b: {  	_ =	shalt  }
0x4c: {  	_ =	shalt  }
0x4d: {  	_ =	shalt  }
0x4e: {  	_ =	shalt  }
0x4f: {  	_ =	shalt  }
0x50: {  	_ =	shalt  }
0x51: {  	_ =	shalt  }
0x52: {  	_ =	shalt  }
0x53: {  	_ =	shalt  }
0x54: {  	_ =	shalt  }
0x55: {  	_ =	shalt  }
0x56: {  	_ =	shalt  }
0x57: {  	_ =	shalt  }
0x58: {  	_ =	shalt  }
0x59: {  	_ =	shalt  }
0x5a: {  	_ =	shalt  }
0x5b: {  	_ =	shalt  }
0x5c: {  	_ =	shalt  }
0x5d: {  	_ =	shalt  }
0x5e: {  	_ =	shalt  }
0x5f: {  	_ =	shalt  }
0x60: {  	_ =	shalt  }
0x61: {  	_ =	shalt  }
0x62: {  	_ =	shalt  }
0x63: {  	_ =	shalt  }
0x64: {  	_ =	shalt  }
0x65: {  	_ =	shalt  }
0x66: {  	_ =	shalt  }
0x67: {  	_ =	shalt  }
0x68: {  	_ =	shalt  }
0x69: {  	_ =	shalt  }
0x6a: {  	_ =	shalt  }
0x6b: {  	_ =	shalt  }
0x6c: {  	_ =	shalt  }
0x6d: {  	_ =	shalt  }
0x6e: {  	_ =	shalt  }
0x6f: {  	_ =	shalt  }
0x70: {  	_ =	shalt  }
0x71: {  	_ =	shalt  }
0x72: {  	_ =	shalt  }
0x73: {  	_ =	shalt  }
0x74: {  	_ =	shalt  }
0x75: {  	_ =	shalt  }
0x76: {  	_ =	shalt  }
0x77: {  	_ =	shalt  }
0x78: {  	_ =	shalt  }
0x79: {  	_ =	shalt  }
0x7a: {  	_ =	shalt  }
0x7b: {  	_ =	shalt  }
0x7c: {  	_ =	shalt  }
0x7d: {  	_ =	shalt  }
0x7e: {  	_ =	shalt  }
0x7f: {  	_ =	shalt  }
0x80: {  	_ =	shalt  }
0x81: {  	_ =	shalt  }
0x82: {  	_ =	shalt  }
0x83: {  	_ =	shalt  }
0x84: {  	_ =	shalt  }
0x85: {  	_ =	shalt  }
0x86: {  	_ =	shalt  }
0x87: {  	_ =	shalt  }
.Lfunc_end0:
.L_simem_size_0:
called_computation_lowered:
.L_overlay_start_0:
0x88: {  	s2 =	sld [smem:$0x3FD9]  }
0x89: {  	s3 =	sld [smem:$0x3FFE];
	_ =	sdelay $0x1  }
0x8a: {  	s1 =	srdreg.scid  }
0x8b: {  	s0 =	sand.u32 $0x1, s1  }
0x8c: {  	s17 =	sshll.u32 s0, $0xA;
	s2 =	sadd.s32 s3, s2  }
0x8d: {  	s2 =	sadd.s32 s2, s17  }
0x8e: {  	[smem:$0x3FC5] =	sst s2  }
0x8f: {  	_ = 	snop  }
0x90: {  	s2 =	sld [smem:$0x3FD0];
	(tm) =	ssettm $0x1  }
0x91: {  	s18 =	sld [smem:$0x3FFB];
	_ =	sdelay $0x3  }
0x92: {  	_ =	strace s18  }
0x93: {  	s3 =	sld [smem:$0x3FFC];
	_ =	sdelay $0x3  }
0x94: {  	_ =	strace s3  }
0x95: {  	s3 =	sld [smem:$0x3FFD];
	_ =	sdelay $0x3  }
0x96: {  	_ =	strace s3  }
0x97: {  	_ =	strace $0x8FFFFFFF  }
0x98: {  	s19 =	sld [smem:$0x3FDB];
	_ =	sdelay $0x1  }
0x99: {  	s4 =	simm.s32 $_scs_section_size  }
0x9a: {  	s5 =	simm.s32 $_size__tile_overlayer_lowered;
	s6 =	simm.s32 $_tile_overlayer_lowered  }
0x9b: {  	s22 =	simm.s32 $0x1BFF;
	s21 =	sshll.u32 s6, $0x1;
	s3 =	sadd.s32 s4, s19  }
0x9c: {  	s7 =	simm.s32 $0x0;
	s20 =	sshll.u32 s5, $0x1;
	s5 =	sadd.s32 s21, s3  }
0x9d: {  	[timem:s7], [sflag:s22] =	dma.local [hbm:s5], s20  }
0x9e: {  	_ =	swait.ge [sflag:s22], s20  }
0x9f: {  	s4 =	ssub.s32 $0x0, s20;
	[sflag:s22] =	ssyncset.done $0x0  }
0xa0: {  	[sflag:s22] =	ssyncadd.s32 s4;
	_ =	sdelay $0x1  }
0xa1: {  	s23 =	simm.s32 $0x1B8B  }
0xa2: {  	_ =	swait.ge [sflag:s23], $0x1  }
0xa3: {  	[sflag:s23] =	ssyncset.done $0x0  }
0xa4: {  	s25 =	simm.s32 $0x1B8E;
	s24 =	sld [smem:$0x3FFE];
	[sflag:s23] =	ssyncadd.s32 $0xFFFFFFFF  }
0xa5: {  	s26 =	simm.s32 $execute0_lowered;
	[smem:$0x3FD2] =	sst s25  }
0xa6: {  	s5 =	sshll.u32 s26, $0x1;
	_ =	strace $0x80000046;
	[dreg:$0x1] =	wrdreg $0xFFFFFFFF  }
0xa7: {  	s28 =	simm.s32 $_size_execute0_lowered;
	s3 =	sadd.s32 s3, s5;
	[dreg:$0x0] =	wrdreg $0x0  }
0xa8: {  	s5 =	sshll.u32 s28, $0x1;
	[dreg:$0x2] =	wrdreg s3  }
0xa9: {  	[dreg:$0x3] =	wrdreg s5  }
0xaa: {  	[dreg:$0x4] =	wrdreg $0xC0  }
0xab: {  	_ =	task [dreg:s7], $0x5FFFF  }
0xac: {  	[dreg:$0x1] =	wrdreg $0xFFFFFFFF  }
0xad: {  	[dreg:$0x0] =	wrdreg $0x60  }
0xae: {  	[dreg:$0x2] =	wrdreg s24  }
0xaf: {  	[dreg:$0x3] =	wrdreg s2  }
0xb0: {  	[dreg:$0x4] =	wrdreg $0x9  }
0xb1: {  	_ =	task.clear_ibuf [dreg:s7], $0x5FFFF;
	_ =	strace $0x90000046  }
0xb2: {  	s29 =	simm.s32 $0x9;
	_ =	strace $0x80000053  }
0xb3: {  	_ =	swait.ge [sflag:s29], $0x1  }
0xb4: {  	[sflag:s29] =	ssyncadd.s32 $0xFFFFFFFF  }
0xb5: {  	_ =	strace $0x90000053  }
0xb6: {  	_ =	sfence  }
0xb7: {  	s30 =	sld [smem:$0x0];
	_ =	sdelay $0x2  }
0xb8: {  	s31 =	sshll.u32 s1, $0xD;
	s1 =	sshrl.u32 s1, $0x2  }
0xb9: {  	s3 =	sand.u32 $0x4000, s31;
	s1 =	sadd.s32 s1, s30  }
0xba: {  	s0 =	sor.u32 s3, s0;
	s1 =	sshll.u32 s1, $0x11  }
0xbb: {  	s0 =	sor.u32 s1, s0  }
0xbc: {  	s0 =	sadd.s32 $0x8F2B, s0  }
0xbd: {  	[sflag:s0] =	ssyncadd.remote.s32 $0x1  }
0xbe: {  	_ =	sfence.sel $0xFFFF  }
0xbf: {  	[dreg:$0x0] =	wrdreg $0xFFFFFFFF;
	(pc) =	sbr.abs _section_cstart, $3  }
0xc0: {  	[dreg:$0x1] =	wrdreg $0xFFFFFFFF  }
0xc1: {  	_ =	task.clear_ibuf [dreg:s7], $0x2FFFF;
	_ =	strace $0x9FFFFFFF  }
0xc2: {  	(tm) =	ssettm $0x7FFFFFFF  }
0xc3: {  	_ =	shalt  }
tec
execute0_lowered:
.L_overlay_start_1:
0x0: {  	(tag) =	ssettag $0x1  }
0x1: {  	s0 =	rddreg [dreg:$0x0];
	s1 =	simm.s32 $0x0  }
0x2: {  	s24 =	srdreg.scid;
	[smem:$0x7FF] =	sst s1;
	s4 =	sadd.s32 $0x32800, s0  }
0x3: {  	s6 =	sadd.s32 $0x19800, s0;
	s7 =	sadd.s32 $0x800, s0;
	s3 =	sadd.s32 $0x1345600, s0  }
0x4: {  	s0 =	sadd.s32 $0xF74C00, s0;
	_ =	strace $0x80000047;
	[dreg:$0x6] =	wrdreg s3  }
0x5: {  	s5 =	stileid.u32;
	s1 =	sand.u32 $0x1, s24;
	[dreg:$0x7] =	wrdreg s0  }
0x6: {  	s2 =	ssub.s32 $0x2, s1;
	s1 =	sshll.u32 s1, $0x4;
	[dreg:$0x3] =	wrdreg s4  }
0x7: {  	v0 =	vimm.s32 $0xECA86420;
	[dreg:$0x4] =	wrdreg s6;
	s1 =	sor.u32 s5, s1  }
0x8: {  	vm0 =	vcmask $0xB08;
	vm1 =	vcmask $0x1310;
	vm2 =	vcmask $0x1B18;
	[dreg:$0x5] =	wrdreg s7;
	s29 =	sshll.u32 s1, $0x7  }
0x9: {  	vm3 =	vcmask $0x300;
	vm4 =	vcmask $0x2320;
	vm5 =	vcmask $0x2B28;
	s28 =	sshll.u32 s1, $0x4;
	s1 =	sshll.u32 s1, $0xA;
	[dreg:$0x8] =	wrdreg s29  }
0xa: {  	v2 =	vlaneseq.u32;
	vm6 =	vcmask $0x3330;
	vm7 =	vcmask $0x3B38;
	s30 =	sadd.s32 s4, s28;
	[dreg:$0xc] =	wrdreg s1  }
0xb: {  	vm8 =	vmmov $0xff;
	vm9 =	vcmask $0x704;
	vm10 =	vcmask $0xF0C;
	s25 =	sshrl.u32 s2, $0x1;
	s31 =	sadd.s32 s6, s28;
	[dreg:$0x9] =	wrdreg s30  }
0xc: {  	vm11 =	vcmask $0x1714;
	vm12 =	vcmask $0x1F1C;
	v0 =	vunpack.c.l.s4.s8 v0;
	s26 =	ssub.s32 s2, s25;
	s2 =	sadd.s32 s7, s28;
	[dreg:$0xa] =	wrdreg s31  }
0xd: {  	vm13 =	vcmask $0x2724;
	s19 =	simm.s32 $0x100;
	v1 =	vmul.u32 $0x2, v2;
	v2 =	vmul.u32 $0x20, v2;
	s0 =	smax.u32 s26, $0x1;
	[dreg:$0xb] =	wrdreg s2  }
0xe: {  	s20 =	simm.s32 $0x1100;
	vm14 =	vcmask $0x2F2C;
	vm15 =	vcmask $0x3734;
	v0 =	vunpack.c.0.s8.s32 v0;
	s1 =	simm.s32 $0x0;
	[dreg:$0xd] =	wrdreg s0  }
.LBB2_1:
0xf: {  	[dreg:$0xe] =	wrdreg s1;
	s0 =	simm.s32 $0x0  }
0x10: {  	s2 =	simm.s32 $0x2100;
	s29 =	simm.s32 $0x2200;
	s31 =	simm.s32 $0x2300  }
0x11: {  	s5 =	simm.s32 $0x0;
	s3 =	simm.s32 $0x0;
	_ =	strace $0x80000048  }
0x12: {  	s9 =	simm.s32 $0x0;
	s7 =	simm.s32 $0x0;
	s26 =	rddreg [dreg:$0x9]  }
0x13: {  	[tilespmem:s2], [sflag:$0x3] =	stream.linear.gather [hbm4b:s26+s0], $0x80, $0x200038;
	[tilespmem:$0x4400] =	vst v63  }
0x14: {  	s8 =	simm.s32 $0x1;
	s10 =	simm.s32 $0x0;
	s28 =	rddreg [dreg:$0xa]  }
0x15: {  	[tilespmem:s29], [sflag:$0x5] =	stream.linear.gather [hbm4b:s28+s0], $0x80, $0x200038;
	[tilespmem:$0x4400] =	vst v63  }
0x16: {  	s11 =	simm.s32 $0x1;
	s12 =	simm.s32 $0x0;
	s30 =	rddreg [dreg:$0xb]  }
0x17: {  	[tilespmem:s31], [sflag:$0x7] =	stream.linear.gather [hbm4b:s30+s0], $0x80, $0x200038;
	[tilespmem:$0x4400] =	vst v63  }
0x18: {  	s13 =	simm.s32 $0x1;
	s4 =	simm.s32 $0x0;
	_ =	strace $0x90000048  }
.LBB2_2:
0x19: {  	[dreg:$0x10] =	wrdreg s9;
	s1 =	sadd.s32 $0x1, s5  }
0x1a: {  	[dreg:$0xf] =	wrdreg s3;
	p0 =	seq.s32 s1, $0xC8  }
0x1b: {  	[dreg:$0x17] =	wrdreg s4;
	s1 =	simm.s32 @p0 $0x0;
	p0 =	seq.s32 s4, $0xC7  }
0x1c: {  	[dreg:$0x19] =	wrdreg s5;
	p1 =	seq.s32 @!p0 s5, s1  }
0x1d: {  	s3 =	rddreg [dreg:$0x8];
	p2 =	por p1, p0  }
0x1e: {  	[dreg:$0x18] =	wrdreg s1;
	s1 =	sshll.u32 @!p2 s1, $0xC;
	s2 =	sand.u32 @!p2 $0x1, s13  }
0x1f: {  	_ =	strace @!p2 $0x80000049;
	s5 =	simm.s32 @!p2 $0x0;
	s1 =	sor.u32 @!p2 s3, s1  }
0x20: {  	s3 =	sshll.u32 @!p2 s2, $0x7;
	s4 =	rddreg [dreg:$0x3];
	s1 =	sshrl.u32 @!p2 s1, $0x3  }
0x21: {  	s2 =	sadd.s32 @!p2 $0x3, s2;
	s3 =	sor.u32 @!p2 $0x2100, s3;
	s4 =	sadd.s32 @!p2 s4, s1  }
0x22: {  	[tilespmem:s3], [sflag:s2] =	stream.linear.gather @!p2 [hbm4b:s4+s5], $0x80, $0x200038;
	[tilespmem:$0x4400] =	vst v63  }
0x23: {  	_ =	strace @!p2 $0x90000049  }
0x24: {  	s2 =	sand.u32 @!p2 $0x1, s11;
	_ =	strace @!p2 $0x8000004A  }
0x25: {  	s3 =	sshll.u32 @!p2 s2, $0x7;
	s4 =	rddreg [dreg:$0x4]  }
0x26: {  	s2 =	sadd.s32 @!p2 $0x5, s2;
	s3 =	sor.u32 @!p2 $0x2200, s3;
	s4 =	sadd.s32 @!p2 s4, s1  }
0x27: {  	[tilespmem:s3], [sflag:s2] =	stream.linear.gather @!p2 [hbm4b:s4+s5], $0x80, $0x200038;
	[tilespmem:$0x4400] =	vst v63  }
0x28: {  	_ =	strace @!p2 $0x9000004A;
	[dreg:$0x12] =	wrdreg s8  }
0x29: {  	s2 =	sand.u32 @!p2 $0x1, s8;
	_ =	strace @!p2 $0x8000004B  }
0x2a: {  	s3 =	sshll.u32 @!p2 s2, $0x7;
	s4 =	rddreg [dreg:$0x5]  }
0x2b: {  	s2 =	sadd.s32 @!p2 $0x7, s2;
	s3 =	sor.u32 @!p2 $0x2300, s3;
	s1 =	sadd.s32 @!p2 s4, s1  }
0x2c: {  	[tilespmem:s3], [sflag:s2] =	stream.linear.gather @!p2 [hbm4b:s1+s5], $0x80, $0x200038;
	[tilespmem:$0x4400] =	vst v63  }
0x2d: {  	s25 =	sand.u32 $0x1, s12;
	_ =	strace @!p2 $0x9000004B  }
0x2e: {  	s1 =	sadd.s32 $0x3, s25;
	_ =	strace $0x8000004C  }
0x2f: {  	_ =	swait.ge [sflag:s1], $0x80  }
0x30: {  	[sflag:s1] =	ssyncset.done $0x0  }
0x31: {  	s0 =	smov.u32 s13;
	[sflag:s1] =	ssyncadd.s32 $0xFFFFFF80  }
0x32: {  	s6 =	smov.u32 s11;
	s26 =	sand.u32 $0x1, s10;
	_ =	strace $0x9000004C  }
0x33: {  	s28 =	sand.u32 $0x1, s7;
	s1 =	sadd.s32 $0x5, s26;
	_ =	strace $0x8000004D  }
0x34: {  	s29 =	sshll.u32 s12, $0x7;
	s30 =	sshll.u32 s10, $0x7;
	_ =	swait.ge [sflag:s1], $0x80  }
0x35: {  	s31 =	sshll.u32 s7, $0x7;
	p1 =	por !p1, p0;
	[sflag:s1] =	ssyncset.done $0x0  }
0x36: {  	s2 =	sadd.s32 @!p2 $0x1, s13;
	s3 =	sadd.s32 @!p2 $0x1, s11;
	[sflag:s1] =	ssyncadd.s32 $0xFFFFFF80  }
0x37: {  	s11 =	smov.u32 @p1 s3;
	s3 =	simm.s32 $0x0;
	_ =	strace $0x9000004D  }
0x38: {  	s13 =	smov.u32 @p1 s2;
	s1 =	sadd.s32 $0x7, s28;
	_ =	strace $0x8000004E  }
0x39: {  	s3 =	simm.s32 @p1 $0x1;
	s11 =	smov.u32 @p0 s6;
	_ =	swait.ge [sflag:s1], $0x80  }
0x3a: {  	s3 =	simm.s32 @p0 $0x0;
	[dreg:$0x14] =	wrdreg s11;
	[sflag:s1] =	ssyncset.done $0x0  }
0x3b: {  	s2 =	sand.u32 $0x80, s30;
	[dreg:$0x1a] =	wrdreg s3;
	[sflag:s1] =	ssyncadd.s32 $0xFFFFFF80  }
0x3c: {  	s2 =	sor.u32 $0x2200, s2;
	_ =	strace $0x9000004E;
	[dreg:$0x15] =	wrdreg s12  }
0x3d: {  	s13 =	smov.u32 @p0 s0;
	v4 =	vmov s2;
	s1 =	sand.u32 $0x80, s29;
	[dreg:$0x13] =	wrdreg s10  }
0x3e: {  	s3 =	sand.u32 $0x80, s31;
	[dreg:$0x11] =	wrdreg s7;
	s1 =	sor.u32 $0x2100, s1  }
0x3f: {  	s3 =	sor.u32 $0x2300, s3;
	[dreg:$0x16] =	wrdreg s13;
	v3 =	vmov s1  }
0x40: {  	s0 =	simm.s32 $0x0;
	v5 =	vmov s3;
	_ =	strace $0x8000004F  }
.LBB2_3:
0x41: {  	s1 =	sshra.s32 s0, $0x2  }
0x42: {  	v6 =	vld.idx.msk [tilespmem:v4+s1+$0x0 ss:$0x1], $0xffff;
	_ =	sdelay $0x1  }
0x43: {  	v7 =	vld.idx.msk [tilespmem:v3+s1+$0x0 ss:$0x1], $0xffff;
	_ =	sdelay $0x2  }
0x44: {  	v6 =	vmul.u32 $0x83, v6;
	_ =	sdelay $0x1  }
0x45: {  	v6 =	vadd.s32 v7, v6  }
0x46: {  	(v2sf) =	vpush v6, $0xD;
	_ =	sdelay $0x1  }
0x47: {  	(v2sf) =	vpush v6, $0xC  }
0x48: {  	(v2sf) =	vpush v6, $0xE;
	_ =	sdelay $0x2  }
0x49: {  	(v2sf) =	vpush v6, $0xF;
	_ =	sdelay $0x1  }
0x4a: {  	(v2sf) =	vpush v6, $0x9;
	_ =	sdelay $0x1  }
0x4b: {  	(v2sf) =	vpush v6, $0x8;
	_ =	sdelay $0x1  }
0x4c: {  	(v2sf) =	vpush v6, $0xA;
	_ =	sdelay $0x1  }
0x4d: {  	(v2sf) =	vpush v6, $0xB  }
0x4e: {  	s13 =	spop (v2sf)  }
0x4f: {  	[dreg:$0x1b] =	wrdreg s0;
	(v2sf) =	vpush v6, $0x0;
	s5 =	smulhi.u32 $0x431BDE83, s13;
	s0 =	sshra.s32 s13, $0x1F  }
0x50: {  	s14 =	spop (v2sf);
	(v2sf) =	vpush v6, $0x1;
	s7 =	smul.u32 $0x431BDE83, s0  }
0x51: {  	s6 =	smulhi.u32 $0x431BDE83, s14;
	s0 =	sshra.s32 s14, $0x1F;
	s15 =	spop (v2sf);
	(v2sf) =	vpush v6, $0x2  }
0x52: {  	s29 =	smul.u32 $0x431BDE83, s0  }
0x53: {  	s8 =	smulhi.u32 $0x431BDE83, s15;
	s0 =	sshra.s32 s15, $0x1F  }
0x54: {  	s16 =	spop (v2sf);
	(v2sf) =	vpush v6, $0x3;
	s15 =	smul.u32 $0x431BDE83, s0  }
0x55: {  	s9 =	smulhi.u32 $0x431BDE83, s16;
	s0 =	sshra.s32 s16, $0x1F  }
0x56: {  	s17 =	spop (v2sf);
	(v2sf) =	vpush v6, $0x4;
	s4 =	smul.u32 $0x431BDE83, s0  }
0x57: {  	s11 =	smulhi.u32 $0x431BDE83, s17;
	s0 =	sshra.s32 s17, $0x1F  }
0x58: {  	s18 =	spop (v2sf);
	(v2sf) =	vpush v6, $0x5;
	s10 =	smul.u32 $0x431BDE83, s0  }
0x59: {  	v7 =	vld.idx.msk [tilespmem:v5+s1+$0x0 ss:$0x1], $0xffff;
	s12 =	smulhi.u32 $0x431BDE83, s18;
	s0 =	sshra.s32 s18, $0x1F  }
0x5a: {  	s21 =	spop (v2sf);
	s31 =	smul.u32 $0x431BDE83, s0  }
0x5b: {  	(v2sf) =	vpush v6, $0x6;
	s18 =	smulhi.u32 $0x431BDE83, s21;
	s0 =	sshra.s32 s21, $0x1F  }
0x5c: {  	s22 =	spop (v2sf);
	(v2sf) =	vpush v6, $0x7;
	s26 =	smul.u32 $0x431BDE83, s0  }
0x5d: {  	[dreg:$0x1c] =	wrdreg s1;
	s23 =	smulhi.u32 $0x431BDE83, s22;
	s0 =	sshra.s32 s22, $0x1F  }
0x5e: {  	v7 =	vmul.u32 $0xAD, v7;
	s2 =	smul.u32 $0x431BDE83, s0;
	s24 =	spop (v2sf)  }
0x5f: {  	s25 =	smulhi.u32 $0x431BDE83, s24;
	s28 =	spop (v2sf)  }
0x60: {  	v7 =	vadd.s32 v6, v7;
	s0 =	sshra.s32 s24, $0x1F;
	s30 =	smulhi.u32 $0x431BDE83, s28;
	s3 =	spop (v2sf)  }
0x61: {  	s2 =	sadd.s32 s2, s23;
	(v2sf) =	vpush v7, $0xD;
	[smem:$0x7E9] =	sst s25;
	s25 =	smul.u32 $0x431BDE83, s0  }
0x62: {  	[smem:$0x7F9] =	sst s2;
	s0 =	sshra.s32 s28, $0x1F;
	s13 =	smulhi.u32 $0x431BDE83, s3  }
0x63: {  	(v2sf) =	vpush v7, $0xC;
	s1 =	sshra.s32 s3, $0x1F;
	s3 =	spop (v2sf);
	s24 =	smul.u32 $0x431BDE83, s0  }
0x64: {  	[smem:$0x7EA] =	sst s30;
	s17 =	smul.u32 $0x431BDE83, s1  }
0x65: {  	(v2sf) =	vpush v7, $0xE;
	s14 =	smulhi.u32 $0x431BDE83, s3;
	s3 =	sshra.s32 s3, $0x1F;
	s28 =	spop (v2sf)  }
0x66: {  	[smem:$0x7EB] =	sst s13;
	s16 =	smul.u32 $0x431BDE83, s3  }
0x67: {  	s3 =	smulhi.u32 $0x431BDE83, s28;
	s28 =	sshra.s32 s28, $0x1F;
	s21 =	spop (v2sf)  }
0x68: {  	s29 =	sadd.s32 s29, s6;
	s6 =	sld [smem:$0x7EA];
	s30 =	smul.u32 $0x431BDE83, s28  }
0x69: {  	(v2sf) =	vpush v7, $0xF;
	[smem:$0x7EC] =	sst s14;
	s22 =	smulhi.u32 $0x431BDE83, s21  }
0x6a: {  	(v2sf) =	vpush v7, $0x9;
	s1 =	spop (v2sf);
	[smem:$0x7ED] =	sst s16  }
0x6b: {  	s28 =	sshra.s32 s21, $0x1F;
	s13 =	smulhi.u32 $0x431BDE83, s1;
	s16 =	spop (v2sf)  }
0x6c: {  	(v2sf) =	vpush v7, $0x8;
	[smem:$0x7EE] =	sst s22;
	s22 =	smul.u32 $0x431BDE83, s28  }
0x6d: {  	s28 =	sshra.s32 s1, $0x1F;
	s21 =	smulhi.u32 $0x431BDE83, s16;
	s23 =	sld [smem:$0x7ED]  }
0x6e: {  	[smem:$0x7EF] =	sst s13;
	s14 =	smul.u32 $0x431BDE83, s28;
	s28 =	sshra.s32 s16, $0x1F  }
0x6f: {  	(v2sf) =	vpush v7, $0xA;
	[smem:$0x7F1] =	sst s21;
	s1 =	smul.u32 $0x431BDE83, s28  }
0x70: {  	(v2sf) =	vpush v7, $0xB;
	[smem:$0x7F0] =	sst s14;
	s13 =	spop (v2sf)  }
0x71: {  	[smem:$0x7F2] =	sst s1;
	s14 =	smulhi.u32 $0x431BDE83, s13;
	s28 =	sshra.s32 s13, $0x1F  }
0x72: {  	s21 =	spop (v2sf);
	s16 =	smul.u32 $0x431BDE83, s28  }
0x73: {  	s28 =	sadd.s32 s7, s5;
	s5 =	smulhi.u32 $0x431BDE83, s21;
	[smem:$0x7F3] =	sst s14  }
0x74: {  	s0 =	sshra.s32 s21, $0x1F;
	s7 =	spop (v2sf);
	[smem:$0x7F4] =	sst s16  }
0x75: {  	(v2sf) =	vpush v7, $0x0;
	s0 =	smul.u32 $0x431BDE83, s0;
	[smem:$0x7F5] =	sst s5  }
0x76: {  	s15 =	sadd.s32 s15, s8;
	s8 =	smulhi.u32 $0x431BDE83, s7;
	s5 =	sld [smem:$0x7E9]  }
0x77: {  	s31 =	sadd.s32 s31, s12;
	s26 =	sadd.s32 s26, s18;
	[smem:$0x7F6] =	sst s0  }
0x78: {  	s16 =	sadd.s32 s4, s9;
	s9 =	spop (v2sf);
	[smem:$0x7F7] =	sst s8  }
0x79: {  	s0 =	sshra.s32 s7, $0x1F;
	s13 =	smulhi.u32 $0x431BDE83, s9;
	s1 =	spop (v2sf)  }
0x7a: {  	s24 =	sadd.s32 s24, s6;
	s8 =	sld [smem:$0x7EB];
	s21 =	smul.u32 $0x431BDE83, s0  }
0x7b: {  	s0 =	sshra.s32 s9, $0x1F;
	s18 =	smulhi.u32 $0x431BDE83, s1;
	s4 =	spop (v2sf)  }
0x7c: {  	s14 =	sadd.s32 s10, s11;
	[smem:$0x7F8] =	sst s13;
	s13 =	smul.u32 $0x431BDE83, s0  }
0x7d: {  	s9 =	sld [smem:$0x7EC];
	s0 =	sshra.s32 s1, $0x1F;
	s12 =	smulhi.u32 $0x431BDE83, s4  }
0x7e: {  	s7 =	spop (v2sf);
	s11 =	smul.u32 $0x431BDE83, s0;
	s0 =	sshra.s32 s4, $0x1F  }
0x7f: {  	s17 =	sadd.s32 s17, s8;
	s8 =	smulhi.u32 $0x431BDE83, s7;
	s1 =	spop (v2sf)  }
0x80: {  	s4 =	sld [smem:$0x7EF];
	s10 =	smul.u32 $0x431BDE83, s0;
	s0 =	sshra.s32 s7, $0x1F  }
0x81: {  	s9 =	sadd.s32 s23, s9;
	s6 =	smulhi.u32 $0x431BDE83, s1;
	s23 =	sld [smem:$0x7F0]  }
0x82: {  	s30 =	sadd.s32 s30, s3;
	(v2sf) =	vpush v7, $0x1;
	s7 =	smul.u32 $0x431BDE83, s0;
	s0 =	sshra.s32 s1, $0x1F  }
0x83: {  	s2 =	sld [smem:$0x7EE];
	s25 =	sadd.s32 s25, s5;
	s5 =	smul.u32 $0x431BDE83, s0  }
0x84: {  	s1 =	sadd.s32 s23, s4;
	s23 =	sld [smem:$0x7F2];
	s3 =	spop (v2sf)  }
0x85: {  	(v2sf) =	vpush v7, $0x2;
	s4 =	smulhi.u32 $0x431BDE83, s3;
	s0 =	sshra.s32 s3, $0x1F;
	s3 =	sld [smem:$0x7F1]  }
0x86: {  	s22 =	sadd.s32 s22, s2;
	s2 =	sld [smem:$0x7F3]  }
0x87: {  	[smem:$0x7FB] =	sst s1  }
0x88: {  	(v2sf) =	vpush v7, $0x3;
	s1 =	sadd.s32 s23, s3;
	s23 =	sld [smem:$0x7F4];
	_ =	sdelay $0x1  }
0x89: {  	[smem:$0x7FA] =	sst s1  }
0x8a: {  	s1 =	sadd.s32 s23, s2;
	s23 =	sld [smem:$0x7F6]  }
0x8b: {  	[dreg:$0x1d] =	wrdreg s1  }
0x8c: {  	s11 =	sadd.s32 s11, s18;
	s1 =	sld [smem:$0x7F5]  }
0x8d: {  	s18 =	sshrl.u32 s15, $0x1F;
	[smem:$0x7FD] =	sst s11  }
0x8e: {  	s11 =	sadd.s32 s10, s12;
	s12 =	sshrl.u32 s29, $0x1F;
	s7 =	sadd.s32 s7, s8  }
0x8f: {  	s8 =	sshra.s32 s28, $0x12;
	s1 =	sadd.s32 s23, s1;
	s23 =	sld [smem:$0x7F7]  }
0x90: {  	v9 =	vmov s12;
	s12 =	sshra.s32 s31, $0x12;
	s3 =	smul.u32 $0x431BDE83, s0;
	s0 =	spop (v2sf)  }
0x91: {  	s6 =	sadd.s32 s5, s6;
	(v2sf) =	vpush v7, $0x4;
	s2 =	smulhi.u32 $0x431BDE83, s0;
	[smem:$0x7FC] =	sst s1  }
0x92: {  	s0 =	sshra.s32 s0, $0x1F;
	s21 =	sadd.s32 s21, s23;
	s23 =	sld [smem:$0x7F8]  }
0x93: {  	s4 =	sadd.s32 s3, s4;
	s1 =	smul.u32 $0x431BDE83, s0;
	s0 =	spop (v2sf)  }
0x94: {  	[dreg:$0x1e] =	wrdreg s21;
	s21 =	smulhi.u32 $0x431BDE83, s0;
	s0 =	sshra.s32 s0, $0x1F  }
0x95: {  	s3 =	sshra.s32 s16, $0x12;
	s0 =	smul.u32 $0x431BDE83, s0;
	s13 =	sadd.s32 s13, s23  }
0x96: {  	s2 =	sadd.s32 s1, s2;
	[dreg:$0x1f] =	wrdreg s13;
	s13 =	spop (v2sf)  }
0x97: {  	(v2sf) =	vpush v7, $0x5;
	s1 =	sshra.s32 s15, $0x12;
	s23 =	smulhi.u32 $0x431BDE83, s13;
	s13 =	sshra.s32 s13, $0x1F  }
0x98: {  	(v2sf) =	vpush v7, $0x6;
	s5 =	sadd.s32 s0, s21;
	s21 =	sshrl.u32 s25, $0x1F;
	s13 =	smul.u32 $0x431BDE83, s13  }
0x99: {  	s15 =	sshrl.u32 s17, $0x1F;
	(v2sf) =	vpush v7, $0x7;
	s0 =	sshrl.u32 s28, $0x1F;
	s28 =	sshrl.u32 s31, $0x1F;
	v8 =	vmov s21  }
0x9a: {  	s21 =	sshrl.u32 s16, $0x1F;
	v8 =	vnsel vm3, $0x0, v8;
	s10 =	sadd.s32 s13, s23;
	s23 =	sshrl.u32 s24, $0x1F  }
0x9b: {  	v13 =	vmov s12;
	s16 =	sshrl.u32 s14, $0x1F;
	s14 =	sshra.s32 s14, $0x12;
	s13 =	sshra.s32 s29, $0x12;
	v8 =	vsel vm0, s23, v8  }
0x9c: {  	v13 =	vsel vm0, s14, v13;
	s29 =	sshrl.u32 s26, $0x1F;
	s26 =	sshra.s32 s26, $0x12;
	v8 =	vsel vm1, s15, v8;
	s15 =	sld [smem:$0x7F9]  }
0x9d: {  	v10 =	vmov s28;
	s28 =	sld [smem:$0x7FA];
	v13 =	vsel vm1, s26, v13;
	s26 =	sshrl.u32 s11, $0x1F  }
0x9e: {  	s12 =	sshra.s32 s30, $0x12;
	v9 =	vsel vm0, s0, v9;
	s23 =	sshrl.u32 s9, $0x1F;
	v15 =	vmov s26;
	s26 =	sld [smem:$0x7FD]  }
0x9f: {  	v9 =	vsel vm1, s18, v9;
	v8 =	vsel vm2, s23, v8;
	s0 =	sshrl.u32 s15, $0x1F;
	s18 =	sshra.s32 s15, $0x12;
	s15 =	sshrl.u32 s30, $0x1F  }
0xa0: {  	s31 =	sshra.s32 s25, $0x12;
	v10 =	vsel vm0, s16, v10;
	s16 =	spop (v2sf);
	v12 =	vmov s13;
	v8 =	vsel vm4, s15, v8;
	s15 =	sshra.s32 s28, $0x1F  }
0xa1: {  	v9 =	vsel vm2, s21, v9;
	s21 =	sshra.s32 s25, $0x1F;
	s25 =	sshrl.u32 s22, $0x1F;
	v12 =	vsel vm0, s8, v12;
	v11 =	vmov s15;
	s15 =	sld [smem:$0x7FB]  }
0xa2: {  	v10 =	vsel vm1, s29, v10;
	s29 =	sshra.s32 s17, $0x12;
	s17 =	sshra.s32 s17, $0x1F;
	v12 =	vsel vm1, s1, v12;
	s1 =	sshrl.u32 s26, $0x1F  }
0xa3: {  	s23 =	sshra.s32 s24, $0x12;
	s26 =	sshra.s32 s26, $0x12;
	v15 =	vsel vm0, s1, v15;
	s1 =	rddreg [dreg:$0x1f];
	v11 =	vsel vm3, s31, v11  }
0xa4: {  	v8 =	vsel vm5, s25, v8;
	s25 =	sshra.s32 s24, $0x1F;
	s31 =	smov.u32 s28;
	v11 =	vsel vm9, s21, v11;
	s24 =	sshrl.u32 s15, $0x1F  }
0xa5: {  	s21 =	sshra.s32 s9, $0x12;
	v11 =	vsel vm0, s23, v11;
	s23 =	sld [smem:$0x7FC];
	v8 =	vsel vm6, s24, v8;
	s24 =	sshrl.u32 s28, $0x1F  }
0xa6: {  	s9 =	sshra.s32 s9, $0x1F;
	s28 =	sshra.s32 s30, $0x1F;
	v8 =	vsel vm7, s24, v8;
	s24 =	spop (v2sf)  }
0xa7: {  	v12 =	vsel vm2, s3, v12;
	v10 =	vsel vm2, s0, v10;
	v11 =	vsel vm10, s25, v11;
	s25 =	sshra.s32 s22, $0x12;
	s22 =	sshra.s32 s22, $0x1F;
	s0 =	spop (v2sf)  }
0xa8: {  	v13 =	vsel vm2, s18, v13;
	v9 =	vcombine.low v10, v9;
	s30 =	sshra.s32 s15, $0x12;
	v11 =	vsel vm1, s29, v11;
	s18 =	sshrl.u32 s23, $0x1F;
	s14 =	spop (v2sf)  }
0xa9: {  	v55 =	vcombine.low v13, v12;
	v11 =	vsel vm11, s17, v11;
	v14 =	vmov s18;
	s18 =	rddreg [dreg:$0x1d];
	s13 =	smulhi.u32 $0x431BDE83, s14;
	s8 =	sshra.s32 s14, $0x1F  }
0xaa: {  	v9 =	vperm.xlane v9, v0;
	v8 =	vperm.xlane v8, v1;
	v11 =	vsel vm2, s21, v11;
	s21 =	rddreg [dreg:$0x1e];
	s29 =	sshrl.u32 s18, $0x1F;
	s3 =	smul.u32 $0x431BDE83, s8  }
0xab: {  	v10 =	vperm.xlane v55, v0;
	v11 =	vsel vm12, s9, v11;
	s17 =	sshrl.u32 s21, $0x1F;
	s9 =	sshrl.u32 s1, $0x1F;
	s14 =	sshra.s32 s11, $0x12;
	v14 =	vsel vm0, s29, v14  }
0xac: {  	s11 =	sshrl.u32 s4, $0x1F;
	v8 =	vsel vm8, v8, v9;
	s29 =	sshrl.u32 s7, $0x1F;
	v11 =	vsel vm4, s12, v11;
	v14 =	vsel vm1, s17, v14;
	s17 =	sadd.s32 s3, s13  }
0xad: {  	s12 =	sshra.s32 s23, $0x12;
	v17 =	vmov s14;
	v59 =	vmov s11;
	v15 =	vsel vm1, s29, v15;
	s13 =	sshra.s32 s18, $0x12;
	s18 =	sshra.s32 s17, $0x1F  }
0xae: {  	s8 =	sshrl.u32 s6, $0x1F;
	s23 =	sshra.s32 s21, $0x12;
	v16 =	vmov s12;
	s29 =	sshra.s32 s4, $0x12;
	v17 =	vsel vm0, s26, v17;
	v18 =	vmov s18  }
0xaf: {  	s7 =	sshra.s32 s7, $0x12;
	s6 =	sshra.s32 s6, $0x12;
	v11 =	vsel vm13, s28, v11;
	v14 =	vsel vm2, s9, v14;
	s9 =	sshra.s32 s4, $0x1F;
	v18 =	vsel vm3, s29, v18  }
0xb0: {  	s14 =	smulhi.u32 $0x431BDE83, s16;
	s21 =	sshra.s32 s5, $0x12;
	v15 =	vsel vm2, s8, v15;
	v16 =	vsel vm0, s13, v16;
	s13 =	sshra.s32 s2, $0x12;
	v18 =	vsel vm9, s9, v18  }
0xb1: {  	s11 =	sshra.s32 s10, $0x1F;
	s12 =	sshrl.u32 s2, $0x1F;
	v17 =	vsel vm1, s7, v17;
	v11 =	vsel vm5, s25, v11;
	s2 =	sshra.s32 s2, $0x1F;
	v56 =	vsel vm0, s13, v18  }
0xb2: {  	s26 =	smulhi.u32 $0x431BDE83, s24;
	s8 =	sshra.s32 s1, $0x12;
	v57 =	vcombine.low v15, v14;
	v16 =	vsel vm1, s23, v16;
	s18 =	sshra.s32 s16, $0x1F;
	v12 =	vsel vm10, s2, v56  }
0xb3: {  	s7 =	sshrl.u32 s5, $0x1F;
	s5 =	sshra.s32 s5, $0x1F;
	v15 =	vnsel vm3, $0x0, v59;
	v16 =	vsel vm2, s8, v16;
	s8 =	smul.u32 $0x431BDE83, s18;
	v12 =	vsel vm1, s21, v12  }
0xb4: {  	s1 =	sshra.s32 s10, $0x12;
	v11 =	vsel vm14, s22, v11;
	v15 =	vsel vm0, s12, v15;
	s12 =	smulhi.u32 $0x431BDE83, s0;
	s29 =	sshra.s32 s24, $0x1F;
	v12 =	vsel vm11, s5, v12  }
0xb5: {  	v58 =	vsel vm2, s6, v17;
	s16 =	sshra.s32 s15, $0x1F;
	v11 =	vsel vm6, s30, v11;
	s9 =	smul.u32 $0x431BDE83, s29;
	s6 =	sadd.s32 s8, s14;
	v12 =	vsel vm2, s1, v12  }
0xb6: {  	s0 =	sshra.s32 s0, $0x1F;
	v15 =	vsel vm1, s7, v15;
	v11 =	vsel vm15, s16, v11;
	s24 =	sshra.s32 s31, $0x12;
	s13 =	sshra.s32 s6, $0x12;
	v12 =	vsel vm12, s11, v12  }
0xb7: {  	s0 =	smul.u32 $0x431BDE83, s0;
	v14 =	vcombine.low v58, v16;
	v11 =	vsel vm7, s24, v11;
	s3 =	sadd.s32 s9, s26;
	s14 =	sshra.s32 s6, $0x1F;
	v12 =	vsel vm4, s13, v12  }
0xb8: {  	s23 =	sshrl.u32 s10, $0x1F;
	v13 =	vperm.xlane v57, v0;
	v11 =	vperm.xlane v11, v1;
	s21 =	sshra.s32 s3, $0x12;
	v12 =	vsel vm13, s14, v12  }
0xb9: {  	v15 =	vsel vm2, s23, v15;
	s0 =	sadd.s32 s0, s12;
	s18 =	sshrl.u32 s6, $0x1F;
	v14 =	vperm.xlane v14, v0;
	s23 =	sshra.s32 s3, $0x1F;
	v12 =	vsel vm5, s21, v12  }
0xba: {  	s26 =	sshra.s32 s0, $0x12;
	v15 =	vsel vm4, s18, v15;
	s22 =	sshrl.u32 s3, $0x1F;
	v60 =	vsel vm8, v11, v10;
	v12 =	vsel vm14, s23, v12  }
0xbb: {  	s25 =	sshrl.u32 s0, $0x1F;
	s0 =	sshra.s32 s0, $0x1F;
	v15 =	vsel vm5, s22, v15;
	v8 =	vadd.s32 v8, v60;
	v12 =	vsel vm6, s26, v12  }
0xbc: {  	s28 =	sshrl.u32 s17, $0x1F;
	s29 =	sshra.s32 s17, $0x12;
	v15 =	vsel vm6, s25, v15;
	v8 =	vmul.u32 $0xF4240, v8;
	v12 =	vsel vm15, s0, v12  }
0xbd: {  	vm2 =	vmmov vm1;
	v15 =	vsel vm7, s28, v15;
	v12 =	vsel vm7, s29, v12  }
0xbe: {  	v15 =	vperm.xlane v15, v1;
	v6 =	vsub.s32 v6, v8;
	v12 =	vperm.xlane v12, v1  }
0xbf: {  	vm1 =	vmmov vm0;
	vm0 =	vmmov vm8;
	v8 =	vadd.s32 $0xF4240, v6  }
0xc0: {  	v61 =	vsel vm8, v15, v13;
	v62 =	vsel vm8, v12, v14;
	vm8 =	vmmov vm7  }
0xc1: {  	vm7 =	vmmov vm6;
	vm6 =	vmmov vm5;
	vm5 =	vmmov vm4  }
0xc2: {  	vm4 =	vmmov vm3;
	vm3 =	vmmov vm15;
	v9 =	vadd.s32 v61, v62  }
0xc3: {  	vm15 =	vmmov vm14;
	vm14 =	vmmov vm13;
	v9 =	vmul.u32 $0xF4240, v9  }
0xc4: {  	vm13 =	vmmov vm12;
	vm12 =	vmmov vm11;
	vm11 =	vmmov vm10  }
0xc5: {  	vm10 =	vmmov vm9;
	vm9 =	vlt.s32 v6, $0x0;
	v7 =	vsub.s32 v7, v9  }
0xc6: {  	s30 =	rddreg [dreg:$0x1b];
	v6 =	vsel vm9, v8, v6;
	vm9 =	vlt.s32 v7, $0x0;
	v63 =	vadd.s32 $0xF4240, v7  }
0xc7: {  	p1 =	sne.s32 s30, $0x1C0;
	v7 =	vsel vm9, v63, v7;
	vm9 =	vmmov vm10  }
.Ltmp0:
0xc8: {  	vm10 =	vmmov vm11;
	vm11 =	vmmov vm12;
	vm12 =	vmmov vm13;
	(pc) =	sbr.rel @p1 .LBB2_3-.Ltmp0, $4  }
0xc9: {  	vm13 =	vmmov vm14;
	vm14 =	vmmov vm15;
	vm15 =	vmmov vm3  }
0xca: {  	s31 =	rddreg [dreg:$0x1c];
	vm3 =	vmmov vm4;
	vm4 =	vmmov vm5;
	vm5 =	vmmov vm6  }
0xcb: {  	[tilespmem:s31+$0x0] =	vst v6;
	vm6 =	vmmov vm7;
	vm7 =	vmmov vm8;
	vm8 =	vmmov vm0  }
0xcc: {  	s0 =	sadd.s32 $0x40, s30;
	vm0 =	vmmov vm1;
	vm1 =	vmmov vm2;
	vm2 =	vcmask $0x1B18;
	[tilespmem:s31+$0x80] =	vst v7  }
0xcd: {  	s2 =	simm.s32 $0x0;
	s0 =	rddreg [dreg:$0x6];
	s1 =	simm.s32 $0x80  }
0xce: {  	[tilespmem:s19], [sflag:$0x1] =	stream.indirect.gather [hbm4b:s0+s1], $0x20, s2, s1, $0x2000b8;
	[tilespmem:$0x4400] =	vst v63  }
0xcf: {  	s29 =	rddreg [dreg:$0x7];
	s30 =	simm.s32 $0x1  }
0xd0: {  	[tilespmem:s20], [sflag:$0x2] =	stream.indirect.gather [hbm4b:s29+s1], $0x20, s1, s1, $0x2000b8;
	[tilespmem:$0x4400] =	vst v63  }
0xd1: {  	_ =	swait.ge [sflag:s30], $0x1000  }
0xd2: {  	[sflag:s30] =	ssyncset.done $0x0;
	s9 =	rddreg [dreg:$0x10]  }
0xd3: {  	s3 =	simm.s32 $0x2;
	s0 =	sand.u32 $0x1, s9;
	[sflag:s30] =	ssyncadd.s32 $0xFFFFF000  }
0xd4: {  	_ =	swait.ge [sflag:s3], $0x1000;
	s31 =	sshll.u32 s0, $0xC  }
0xd5: {  	[sflag:s3] =	ssyncset.done $0x0;
	s1 =	sor.u32 $0x2400, s31;
	s10 =	rddreg [dreg:$0x13]  }
0xd6: {  	s12 =	rddreg [dreg:$0x15];
	[sflag:s3] =	ssyncadd.s32 $0xFFFFF000;
	s3 =	smov.u32 s1  }
.LBB2_5:
0xd7: {  	s4 =	sshll.u32 s2, $0x3;
	s5 =	smov.u32 s3;
	s6 =	simm.s32 $0x0  }
.LBB2_6:
0xd8: {  	s7 =	sadd.s32 s4, s6  }
0xd9: {  	s29 =	simm.s32 $0x0;
	v3 =	vmov s7  }
0xda: {  	v4 =	vmov s29;
	v3 =	vand.u32 $0x1F, v3  }
0xdb: {  	v4 =	vshll.u32 v4, $0x5;
	v3 =	vbroadcast v3, $0x0  }
0xdc: {  	v4 =	vor.u32 v2, v4  }
0xdd: {  	v4 =	vor.u32 v3, v4;
	_ =	sdelay $0x4  }
0xde: {  	s30 =	simm.s32 $0x10;
	v5 =	vld.idx.msk [tilespmem:v4+s20+$0x0], $0xffff  }
0xdf: {  	v6 =	vmov s30;
	v4 =	vld.idx.msk [tilespmem:v4+s19+$0x0], $0xffff  }
0xe0: {  	v6 =	vshll.u32 v6, $0x5  }
0xe1: {  	v6 =	vor.u32 v2, v6  }
0xe2: {  	v6 =	vor.u32 v3, v6;
	_ =	sdelay $0x1  }
0xe3: {  	v4 =	vadd.f32 v5, v4;
	_ =	sdelay $0x1  }
0xe4: {  	[tilespmem:s5+$0x0] =	vst v4  }
0xe5: {  	s31 =	simm.s32 $0x20;
	v4 =	vld.idx.msk [tilespmem:v6+s20+$0x0], $0xffff  }
0xe6: {  	v7 =	vmov s31;
	v5 =	vld.idx.msk [tilespmem:v6+s19+$0x0], $0xffff  }
0xe7: {  	s8 =	simm.s32 $0x30;
	s7 =	smov.u32 s5;
	v6 =	vshll.u32 v7, $0x5  }
.LBB2_7:
0xe8: {  	p1 =	sne.s32 s8, $0x70;
	v6 =	vor.u32 v2, v6  }
0xe9: {  	v6 =	vor.u32 v3, v6;
	_ =	sdelay $0x1  }
0xea: {  	v4 =	vadd.f32 v4, v5  }
0xeb: {  	s7 =	sadd.s32 $0x10, s7  }
.Ltmp1:
0xec: {  	[tilespmem:s7+$0x0] =	vst v4;
	(pc) =	sbr.rel @p1 .LBB2_7-.Ltmp1, $4  }
0xed: {  	v4 =	vld.idx.msk [tilespmem:v6+s20+$0x0], $0xffff  }
0xee: {  	v5 =	vld.idx.msk [tilespmem:v6+s19+$0x0], $0xffff  }
0xef: {  	v6 =	vmov s8  }
0xf0: {  	s8 =	sadd.s32 $0x10, s8;
	v6 =	vshll.u32 v6, $0x5  }
0xf1: {  	v6 =	vor.u32 v2, v6  }
0xf2: {  	v3 =	vor.u32 v3, v6;
	_ =	sdelay $0x1  }
0xf3: {  	v4 =	vadd.f32 v4, v5  }
0xf4: {  	s7 =	sadd.s32 $0x10, s7  }
0xf5: {  	[tilespmem:s7+$0x0] =	vst v4  }
0xf6: {  	v4 =	vld.idx.msk [tilespmem:v3+s20+$0x0], $0xffff  }
0xf7: {  	v3 =	vld.idx.msk [tilespmem:v3+s19+$0x0], $0xffff  }
0xf8: {  	s6 =	sadd.s32 $0x1, s6  }
0xf9: {  	p1 =	sne.s32 s6, $0x8  }
.Ltmp2:
0xfa: {  	_ = 	snop;
	(pc) =	sbr.rel @p1 .LBB2_6-.Ltmp2, $4  }
0xfb: {  	_ = 	snop  }
0xfc: {  	v3 =	vadd.f32 v4, v3  }
0xfd: {  	s7 =	sadd.s32 $0x10, s7  }
0xfe: {  	s5 =	sadd.s32 $0x80, s5;
	[tilespmem:s7+$0x0] =	vst v3  }
0xff: {  	s2 =	sadd.s32 $0x1, s2  }
0x100: {  	p1 =	sne.s32 s2, $0x4  }
.Ltmp3:
0x101: {  	_ = 	snop;
	(pc) =	sbr.rel @p1 .LBB2_5-.Ltmp3, $2  }
0x102: {  	_ =	sdelay $0x2  }
0x103: {  	s3 =	sadd.s32 $0x400, s3  }
0x104: {  	s5 =	rddreg [dreg:$0x18]  }
0x105: {  	s2 =	rddreg [dreg:$0x19]  }
0x106: {  	p1 =	sne.s32 s2, s5  }
0x107: {  	_ =	strace $0x9000004F;
	p1 =	por p0, p1  }
0x108: {  	s3 =	rddreg [dreg:$0xc];
	s2 =	sshll.u32 @p1 s2, $0x11  }
0x109: {  	_ =	strace @p1 $0x80000050;
	s2 =	sor.u32 @p1 s3, s2  }
0x10a: {  	s0 =	sadd.s32 @p1 $0x9, s0;
	s3 =	rddreg [dreg:$0x1];
	s2 =	sshrl.u32 @p1 s2, $0x3  }
0x10b: {  	s4 =	simm.s32 @p1 $0x8000;
	s2 =	sadd.s32 @p1 s3, s2;
	s3 =	simm.s32 @p1 $0x400  }
0x10c: {  	[hbm4b:s2+s3] =	stream.strided.scatter @p1 [tilespmem:s1], [sflag:s0], $0x1000, s4, s3, $0x200038;
	[tilespmem:$0x4400] =	vst v63  }
0x10d: {  	s30 =	rddreg [dreg:$0x17];
	_ =	strace @p1 $0x90000050  }
0x10e: {  	p0 =	seq.s32 s30, $0x0;
	s3 =	rddreg [dreg:$0xf]  }
0x10f: {  	_ =	strace @!p0 $0x80000051;
	s1 =	sand.u32 @!p0 $0x1, s3  }
0x110: {  	s8 =	rddreg [dreg:$0x12];
	s1 =	sadd.s32 @!p0 $0x9, s1  }
0x111: {  	s31 =	rddreg [dreg:$0x1a];
	_ =	swait.ge @!p0 [sflag:s1], $0x1000  }
0x112: {  	[sflag:s1] =	ssyncset.done @!p0 $0x0  }
0x113: {  	s4 =	sadd.s32 $0x1, s30;
	[sflag:s1] =	ssyncadd.s32 @!p0 $0xFFFFF000  }
0x114: {  	s0 =	simm.s32 $0x1;
	_ =	strace @!p0 $0x90000051;
	p0 =	sne.s32 s4, $0xC8  }
.Ltmp4:
0x115: {  	s0 =	simm.s32 @!p1 $0x0;
	(pc) =	sbr.rel @p0 .LBB2_2-.Ltmp4, $4  }
0x116: {  	s2 =	simm.s32 $0x1;
	p1 =	sne.s32 s30, $0x0;
	s9 =	sadd.s32 s0, s9  }
0x117: {  	s2 =	simm.s32 @!p1 $0x0;
	s12 =	sadd.s32 s0, s12;
	s7 =	rddreg [dreg:$0x11]  }
0x118: {  	s10 =	sadd.s32 s0, s10;
	s3 =	sadd.s32 s2, s3;
	s11 =	rddreg [dreg:$0x14]  }
0x119: {  	s8 =	sadd.s32 s8, s31;
	s13 =	rddreg [dreg:$0x16];
	s7 =	sadd.s32 s0, s7  }
0x11a: {  	s0 =	sand.u32 $0x1, s3  }
0x11b: {  	_ =	strace $0x80000052;
	s0 =	sadd.s32 $0x9, s0  }
0x11c: {  	_ =	swait.ge [sflag:s0], $0x1000  }
0x11d: {  	s1 =	rddreg [dreg:$0xe]  }
0x11e: {  	s31 =	rddreg [dreg:$0xd];
	s1 =	sadd.s32 $0x1, s1  }
0x11f: {  	p0 =	sne.s32 s1, s31  }
.Ltmp5:
0x120: {  	_ = 	snop;
	(pc) =	sbr.rel @p0 .LBB2_1-.Ltmp5, $4  }
0x121: {  	_ = 	snop  }
0x122: {  	[sflag:s0] =	ssyncset.done $0x0  }
0x123: {  	[sflag:s0] =	ssyncadd.s32 $0xFFFFF000  }
0x124: {  	_ =	strace $0x90000052  }
0x125: {  	_ =	sfence.sel $0x180000  }
0x126: {  	[bflag:$0x0] =	sbarrier.arrive $0xFFFF  }
0x127: {  	_ =	strace $0x90000047  }
0x128: {  	s0 =	stileid.u32;
	[bflag:$0x2] =	sbarrier.arrive $0xFFFF  }
0x129: {  	p0 =	sne.s32 s0, $0x0;
	s0 =	rddreg [dreg:$0x2]  }
0x12a: {  	s0 =	sadd.s32 @!p0 $0x100000, s0  }
0x12b: {  	[sflag:s0] =	ssyncadd.tile.s32 @!p0 $0x1;
	_ =	shalt  }
.Lfunc_end2:
_tile_overlayer_lowered:
.L_overlay_start_2:
0x12c: {  	(tag) =	ssettag $0x2  }
0x12d: {  	s0 =	rddreg [dreg:$0x0];
	s2 =	stileid.u32  }
0x12e: {  	s1 =	rddreg [dreg:$0x1];
	p0 =	sne.s32 s2, $0x0  }
0x12f: {  	s3 =	rddreg [dreg:$0x2];
	[bflag:$0x3] =	sbarrier.arrive $0xFFFF;
	s2 =	simm.s32 @!p0 $0x1C03  }
0x130: {  	[timem:s3], [sflag:s2] =	dma.local @!p0 [hbm:s0], s1  }
0x131: {  	s0 =	simm.s32 @!p0 $0x3  }
0x132: {  	_ =	swait.ge @!p0 [sflag:s0], s1  }
0x133: {  	s1 =	ssub.s32 @!p0 $0x0, s1;
	[sflag:s0] =	ssyncset.done @!p0 $0x0  }
0x134: {  	[sflag:s0] =	ssyncadd.s32 @!p0 s1  }
0x135: {  	[bflag:$0x3] =	sbarrier.arrive $0xFFFF  }
0x136: {  	_ =	shalt  }

</sc_bundles>
